<compile_context>
chip_gen: v7x
topology: tpu7x:2x2x1
jax: 0.10.2.dev20260603
libtpu: 0.0.44.dev20260713+nightly
codegen_flags: <defaults>
</compile_context>

<pallas_src>
import jax
import jax.numpy as jnp
from jax import lax
from jax.experimental import pallas as pl
from jax.experimental.pallas import tpu as pltpu
from jax.experimental.pallas import tpu_sc as plsc

NUM_HID = 128
SEQ = 200
CHUNK = 128
LANES = 16
NBUF = 4
AHEAD = 2
NW = 32
SEQ_PER_W = 128
JBLK = SEQ_PER_W // CHUNK


def _emb_body(x_hbm, emb_hbm, pos_hbm, out_hbm, idx_all, pos_v, pat_v,
              *scr):
    rows = scr[:NBUF]
    sin = scr[NBUF:2 * NBUF]
    sout = scr[2 * NBUF:3 * NBUF]
    oidx = scr[3 * NBUF:4 * NBUF]
    wid = lax.axis_index("s") * 2 + lax.axis_index("c")
    nch = x_hbm.shape[0] // NW
    wbase = wid * nch * CHUNK

    pltpu.sync_copy(x_hbm.at[pl.ds(wid * nch, nch)], idx_all)
    pltpu.sync_copy(pos_hbm, pos_v)

    for i in range(CHUNK // LANES):
        pat_v[pl.ds(i * LANES, LANES)] = (
            lax.iota(jnp.int32, LANES) + i * LANES) * SEQ

    def start_gather(g, b):
        pltpu.async_copy(emb_hbm.at[idx_all.at[g]], rows[b], sin[b])

    def wait_gather(b):
        pltpu.make_async_copy(emb_hbm.at[pl.ds(0, CHUNK)], rows[b],
                              sin[b]).wait()

    def start_store(g, b):
        j = g // SEQ
        p = g % SEQ
        cbase = wbase + j * CHUNK * SEQ + p
        for i in range(CHUNK // LANES):
            oidx[b][pl.ds(i * LANES, LANES)] = (
                pat_v[pl.ds(i * LANES, LANES)] + cbase)
        pltpu.async_copy(rows[b], out_hbm.at[oidx[b]], sout[b])

    def wait_store(b):
        pltpu.make_async_copy(rows[b], out_hbm.at[oidx[b]], sout[b]).wait()

    for j in range(AHEAD):
        start_gather(j, j)

    def outer(t, carry):
        for b in range(NBUF):
            g = t * NBUF + b
            bb = (b + AHEAD) % NBUF

            @pl.when(jnp.logical_and(g >= NBUF - AHEAD, g < nch - AHEAD))
            def _():
                wait_store(bb)

            @pl.when(g < nch - AHEAD)
            def _():
                start_gather(g + AHEAD, bb)

            wait_gather(b)
            p = g % SEQ
            vs = [pos_v[p, pl.ds(j * LANES, LANES)]
                  for j in range(NUM_HID // LANES)]

            @plsc.parallel_loop(0, CHUNK, unroll=2)
            def row_body(r):
                for j in range(NUM_HID // LANES):
                    plsc.addupdate(rows[b].at[r, pl.ds(j * LANES, LANES)],
                                   vs[j])

            start_store(g, b)
        return carry

    lax.fori_loop(0, nch // NBUF, outer, 0)

    for b in range(NBUF):
        wait_store(b)


def kernel(x, emb, pos_emb):
    bsz, s = x.shape
    h = emb.shape[1]
    xi = x.astype(jnp.int32).reshape(NW, JBLK, CHUNK, s)
    xi = xi.transpose(0, 1, 3, 2).reshape(bsz * s // CHUNK, CHUNK)

    mesh = plsc.VectorSubcoreMesh(core_axis_name="c", subcore_axis_name="s")
    run = pl.kernel(
        _emb_body,
        out_type=jax.ShapeDtypeStruct((bsz * s, h), jnp.float32),
        mesh=mesh,
        scratch_types=(
            [pltpu.VMEM(((bsz * s) // (NW * CHUNK), CHUNK), jnp.int32),
             pltpu.VMEM((s, h), jnp.float32),
             pltpu.VMEM((CHUNK,), jnp.int32)]
            + [pltpu.VMEM((CHUNK, h), jnp.float32)] * NBUF
            + [pltpu.SemaphoreType.DMA] * (2 * NBUF)
            + [pltpu.VMEM((CHUNK,), jnp.int32)] * NBUF
        ),
    )
    out = run(xi, emb, pos_emb)
    return out.reshape(bsz, s, h)

# --- scband reference (transcript-rebuilt; emitter-appended) ---
"""Pipeline reference for scband-token-embedding-76089640616532 (READ-ONLY COPY).

The authoritative reference and input builder live on the scoring server;
editing this copy changes nothing except your own understanding.
"""

import jax, jax.numpy as jnp
import numpy as np

NUM_VOCAB = 100000
MAXLEN = 200
NUM_HID = 128
BATCH = 4096
SEQ = 200

def setup_inputs(seed: int = 0) -> dict:
    key = jax.random.key(seed)
    k1, k2, k3 = jax.random.split(key, 3)
    x = jax.random.randint(k1, (BATCH, SEQ), 0, NUM_VOCAB, dtype=jnp.int64 if jax.config.jax_enable_x64 else jnp.int32)
    emb = jax.random.normal(k2, (NUM_VOCAB, NUM_HID), dtype=jnp.float32) * 0.02
    pos_emb = jax.random.normal(k3, (MAXLEN, NUM_HID), dtype=jnp.float32) * 0.02
    return {"x": x, "emb": emb, "pos_emb": pos_emb}

def reference(x, emb, pos_emb):
    # token embedding lookup
    tok = jnp.take(emb, x, axis=0)                      # [B, S, H]
    maxlen = x.shape[-1]
    positions = jnp.arange(0, maxlen)
    pos = jnp.take(pos_emb, positions, axis=0)          # [S, H]
    return tok + pos

if __name__ == "__main__":
    import jax
    _d = setup_inputs()
    print(jax.jit(kernel)(*tuple(_d.values())))

</pallas_src>

<mosaic_0001>
#map = affine_map<(d0, d1) -> (0, 0)>
module attributes {stable_mosaic.version = 14 : i64} {
  func.func @_emb_body(%arg0: i32, %arg1: i32, %arg2: memref<6400x128xi32, #tpu.memory_space<hbm>>, %arg3: memref<100000x128xf32, #tpu.memory_space<hbm>>, %arg4: memref<200x128xf32, #tpu.memory_space<hbm>>, %arg5: memref<819200x128xf32, #tpu.memory_space<hbm>>, %arg6: memref<200x128xi32, #tpu.memory_space<vmem>>, %arg7: memref<200x128xf32, #tpu.memory_space<vmem>>, %arg8: memref<128xi32, #tpu.memory_space<vmem>>, %arg9: memref<128x128xf32, #tpu.memory_space<vmem>>, %arg10: memref<128x128xf32, #tpu.memory_space<vmem>>, %arg11: memref<128x128xf32, #tpu.memory_space<vmem>>, %arg12: memref<128x128xf32, #tpu.memory_space<vmem>>, %arg13: memref<!tpu.dma_semaphore, #tpu.memory_space<semaphore_mem>>, %arg14: memref<!tpu.dma_semaphore, #tpu.memory_space<semaphore_mem>>, %arg15: memref<!tpu.dma_semaphore, #tpu.memory_space<semaphore_mem>>, %arg16: memref<!tpu.dma_semaphore, #tpu.memory_space<semaphore_mem>>, %arg17: memref<!tpu.dma_semaphore, #tpu.memory_space<semaphore_mem>>, %arg18: memref<!tpu.dma_semaphore, #tpu.memory_space<semaphore_mem>>, %arg19: memref<!tpu.dma_semaphore, #tpu.memory_space<semaphore_mem>>, %arg20: memref<!tpu.dma_semaphore, #tpu.memory_space<semaphore_mem>>, %arg21: memref<128xi32, #tpu.memory_space<vmem>>, %arg22: memref<128xi32, #tpu.memory_space<vmem>>, %arg23: memref<128xi32, #tpu.memory_space<vmem>>, %arg24: memref<128xi32, #tpu.memory_space<vmem>>) attributes {dimension_semantics = [#tpu.dimension_semantics<core_parallel>, #tpu.dimension_semantics<subcore_parallel>], iteration_bounds = array<i64: 2, 16>, scalar_prefetch = 0 : i64, scratch_operands = 19 : i64, tpu.core_type = #tpu.core_type<sc_vector_subcore>, window_params = [{transform_indices = #map}, {transform_indices = #map}, {transform_indices = #map}, {transform_indices = #map}]} {
    %mul3A = arith.constant 2 : i32
    %mul3A_0 = arith.muli %arg1, %mul3A : i32
    %add3A = arith.addi %mul3A_0, %arg0 : i32
    %mul3A_1 = arith.constant 200 : i32
    %mul3A_2 = arith.muli %add3A, %mul3A_1 : i32
    %mul3A_3 = arith.constant 128 : i32
    %mul3A_4 = arith.muli %mul3A_2, %mul3A_3 : i32
    %mul3A_5 = arith.constant 200 : i32
    %mul3A_6 = arith.muli %add3A, %mul3A_5 : i32
    "tpu.region"() ({
      %run_scoped3A = tpu.sem_alloc : memref<!tpu.dma_semaphore, #tpu.memory_space<semaphore_mem>>
      %dma_start3A_122 = arith.constant 0 : i32
      %dma_start3A_123 = tpu.memref_slice %arg2[%mul3A_6, %dma_start3A_122] : memref<6400x128xi32, #tpu.memory_space<hbm>> -> memref<200x128xi32, #tpu.memory_space<hbm>>
      %dma_start3A_124 = arith.constant 0 : i32
      %dma_start3A_125 = tpu.memref_slice %arg2[%mul3A_6, %dma_start3A_124] : memref<6400x128xi32, #tpu.memory_space<hbm>> -> memref<200x128xi32, #tpu.memory_space<hbm>>
      tpu.enqueue_dma source(%dma_start3A_125 : memref<200x128xi32, #tpu.memory_space<hbm>>) target(%arg6 : memref<200x128xi32, #tpu.memory_space<vmem>>) target_semaphore(%run_scoped3A : memref<!tpu.dma_semaphore, #tpu.memory_space<semaphore_mem>>)
      %dma_wait3A_126 = arith.constant 0 : i32
      %dma_wait3A_127 = tpu.memref_slice %arg2[%mul3A_6, %dma_wait3A_126] : memref<6400x128xi32, #tpu.memory_space<hbm>> -> memref<200x128xi32, #tpu.memory_space<hbm>>
      %dma_wait3A_128 = arith.constant 0 : i32
      %dma_wait3A_129 = tpu.memref_slice %arg2[%mul3A_6, %dma_wait3A_128] : memref<6400x128xi32, #tpu.memory_space<hbm>> -> memref<200x128xi32, #tpu.memory_space<hbm>>
      tpu.wait_dma2 semaphore(%run_scoped3A : memref<!tpu.dma_semaphore, #tpu.memory_space<semaphore_mem>>) src(%dma_wait3A_129 : memref<200x128xi32, #tpu.memory_space<hbm>>) dst(%arg6 : memref<200x128xi32, #tpu.memory_space<vmem>>)
      tpu.yield
    }) : () -> ()
    "tpu.region"() ({
      %run_scoped3A = tpu.sem_alloc : memref<!tpu.dma_semaphore, #tpu.memory_space<semaphore_mem>>
      tpu.enqueue_dma source(%arg4 : memref<200x128xf32, #tpu.memory_space<hbm>>) target(%arg7 : memref<200x128xf32, #tpu.memory_space<vmem>>) target_semaphore(%run_scoped3A : memref<!tpu.dma_semaphore, #tpu.memory_space<semaphore_mem>>)
      tpu.wait_dma2 semaphore(%run_scoped3A : memref<!tpu.dma_semaphore, #tpu.memory_space<semaphore_mem>>) src(%arg4 : memref<200x128xf32, #tpu.memory_space<hbm>>) dst(%arg7 : memref<200x128xf32, #tpu.memory_space<vmem>>)
      tpu.yield
    }) : () -> ()
    %iota3A = tpu.iota {dimensions = array<i32: 0>} : vector<16xi32>
    %add3A_7 = arith.constant 0 : i32
    %add3A_8 = vector.broadcast %add3A_7 : i32 to vector<16xi32>
    %add3A_9 = arith.addi %iota3A, %add3A_8 : vector<16xi32>
    %mul3A_10 = arith.constant 200 : i32
    %mul3A_11 = vector.broadcast %mul3A_10 : i32 to vector<16xi32>
    %mul3A_12 = arith.muli %add3A_9, %mul3A_11 : vector<16xi32>
    %swap3A = arith.constant 0 : index
    %swap3A_13 = tpu.vector_load %arg8[%swap3A] {strides = array<i32>} : memref<128xi32, #tpu.memory_space<vmem>>, vector<16xi32>,
    %swap3A_14 = vector.shape_cast %swap3A_13 : vector<16xi32> to vector<16xi32>
    %swap3A_15 = vector.shape_cast %mul3A_12 : vector<16xi32> to vector<16xi32>
    tpu.vector_store %arg8[%swap3A], %swap3A_15 {strides = array<i32>} : memref<128xi32, #tpu.memory_space<vmem>>, vector<16xi32>,
    %iota3A_16 = tpu.iota {dimensions = array<i32: 0>} : vector<16xi32>
    %add3A_17 = arith.constant 16 : i32
    %add3A_18 = vector.broadcast %add3A_17 : i32 to vector<16xi32>
    %add3A_19 = arith.addi %iota3A_16, %add3A_18 : vector<16xi32>
    %mul3A_20 = arith.constant 200 : i32
    %mul3A_21 = vector.broadcast %mul3A_20 : i32 to vector<16xi32>
    %mul3A_22 = arith.muli %add3A_19, %mul3A_21 : vector<16xi32>
    %swap3A_23 = arith.constant 16 : index
    %swap3A_24 = tpu.vector_load %arg8[%swap3A_23] {strides = array<i32>} : memref<128xi32, #tpu.memory_space<vmem>>, vector<16xi32>,
    %swap3A_25 = vector.shape_cast %swap3A_24 : vector<16xi32> to vector<16xi32>
    %swap3A_26 = vector.shape_cast %mul3A_22 : vector<16xi32> to vector<16xi32>
    tpu.vector_store %arg8[%swap3A_23], %swap3A_26 {strides = array<i32>} : memref<128xi32, #tpu.memory_space<vmem>>, vector<16xi32>,
    %iota3A_27 = tpu.iota {dimensions = array<i32: 0>} : vector<16xi32>
    %add3A_28 = arith.constant 32 : i32
    %add3A_29 = vector.broadcast %add3A_28 : i32 to vector<16xi32>
    %add3A_30 = arith.addi %iota3A_27, %add3A_29 : vector<16xi32>
    %mul3A_31 = arith.constant 200 : i32
    %mul3A_32 = vector.broadcast %mul3A_31 : i32 to vector<16xi32>
    %mul3A_33 = arith.muli %add3A_30, %mul3A_32 : vector<16xi32>
    %swap3A_34 = arith.constant 32 : index
    %swap3A_35 = tpu.vector_load %arg8[%swap3A_34] {strides = array<i32>} : memref<128xi32, #tpu.memory_space<vmem>>, vector<16xi32>,
    %swap3A_36 = vector.shape_cast %swap3A_35 : vector<16xi32> to vector<16xi32>
    %swap3A_37 = vector.shape_cast %mul3A_33 : vector<16xi32> to vector<16xi32>
    tpu.vector_store %arg8[%swap3A_34], %swap3A_37 {strides = array<i32>} : memref<128xi32, #tpu.memory_space<vmem>>, vector<16xi32>,
    %iota3A_38 = tpu.iota {dimensions = array<i32: 0>} : vector<16xi32>
    %add3A_39 = arith.constant 48 : i32
    %add3A_40 = vector.broadcast %add3A_39 : i32 to vector<16xi32>
    %add3A_41 = arith.addi %iota3A_38, %add3A_40 : vector<16xi32>
    %mul3A_42 = arith.constant 200 : i32
    %mul3A_43 = vector.broadcast %mul3A_42 : i32 to vector<16xi32>
    %mul3A_44 = arith.muli %add3A_41, %mul3A_43 : vector<16xi32>
    %swap3A_45 = arith.constant 48 : index
    %swap3A_46 = tpu.vector_load %arg8[%swap3A_45] {strides = array<i32>} : memref<128xi32, #tpu.memory_space<vmem>>, vector<16xi32>,
    %swap3A_47 = vector.shape_cast %swap3A_46 : vector<16xi32> to vector<16xi32>
    %swap3A_48 = vector.shape_cast %mul3A_44 : vector<16xi32> to vector<16xi32>
    tpu.vector_store %arg8[%swap3A_45], %swap3A_48 {strides = array<i32>} : memref<128xi32, #tpu.memory_space<vmem>>, vector<16xi32>,
    %iota3A_49 = tpu.iota {dimensions = array<i32: 0>} : vector<16xi32>
    %add3A_50 = arith.constant 64 : i32
    %add3A_51 = vector.broadcast %add3A_50 : i32 to vector<16xi32>
    %add3A_52 = arith.addi %iota3A_49, %add3A_51 : vector<16xi32>
    %mul3A_53 = arith.constant 200 : i32
    %mul3A_54 = vector.broadcast %mul3A_53 : i32 to vector<16xi32>
    %mul3A_55 = arith.muli %add3A_52, %mul3A_54 : vector<16xi32>
    %swap3A_56 = arith.constant 64 : index
    %swap3A_57 = tpu.vector_load %arg8[%swap3A_56] {strides = array<i32>} : memref<128xi32, #tpu.memory_space<vmem>>, vector<16xi32>,
    %swap3A_58 = vector.shape_cast %swap3A_57 : vector<16xi32> to vector<16xi32>
    %swap3A_59 = vector.shape_cast %mul3A_55 : vector<16xi32> to vector<16xi32>
    tpu.vector_store %arg8[%swap3A_56], %swap3A_59 {strides = array<i32>} : memref<128xi32, #tpu.memory_space<vmem>>, vector<16xi32>,
    %iota3A_60 = tpu.iota {dimensions = array<i32: 0>} : vector<16xi32>
    %add3A_61 = arith.constant 80 : i32
    %add3A_62 = vector.broadcast %add3A_61 : i32 to vector<16xi32>
    %add3A_63 = arith.addi %iota3A_60, %add3A_62 : vector<16xi32>
    %mul3A_64 = arith.constant 200 : i32
    %mul3A_65 = vector.broadcast %mul3A_64 : i32 to vector<16xi32>
    %mul3A_66 = arith.muli %add3A_63, %mul3A_65 : vector<16xi32>
    %swap3A_67 = arith.constant 80 : index
    %swap3A_68 = tpu.vector_load %arg8[%swap3A_67] {strides = array<i32>} : memref<128xi32, #tpu.memory_space<vmem>>, vector<16xi32>,
    %swap3A_69 = vector.shape_cast %swap3A_68 : vector<16xi32> to vector<16xi32>
    %swap3A_70 = vector.shape_cast %mul3A_66 : vector<16xi32> to vector<16xi32>
    tpu.vector_store %arg8[%swap3A_67], %swap3A_70 {strides = array<i32>} : memref<128xi32, #tpu.memory_space<vmem>>, vector<16xi32>,
    %iota3A_71 = tpu.iota {dimensions = array<i32: 0>} : vector<16xi32>
    %add3A_72 = arith.constant 96 : i32
    %add3A_73 = vector.broadcast %add3A_72 : i32 to vector<16xi32>
    %add3A_74 = arith.addi %iota3A_71, %add3A_73 : vector<16xi32>
    %mul3A_75 = arith.constant 200 : i32
    %mul3A_76 = vector.broadcast %mul3A_75 : i32 to vector<16xi32>
    %mul3A_77 = arith.muli %add3A_74, %mul3A_76 : vector<16xi32>
    %swap3A_78 = arith.constant 96 : index
    %swap3A_79 = tpu.vector_load %arg8[%swap3A_78] {strides = array<i32>} : memref<128xi32, #tpu.memory_space<vmem>>, vector<16xi32>,
    %swap3A_80 = vector.shape_cast %swap3A_79 : vector<16xi32> to vector<16xi32>
    %swap3A_81 = vector.shape_cast %mul3A_77 : vector<16xi32> to vector<16xi32>
    tpu.vector_store %arg8[%swap3A_78], %swap3A_81 {strides = array<i32>} : memref<128xi32, #tpu.memory_space<vmem>>, vector<16xi32>,
    %iota3A_82 = tpu.iota {dimensions = array<i32: 0>} : vector<16xi32>
    %add3A_83 = arith.constant 112 : i32
    %add3A_84 = vector.broadcast %add3A_83 : i32 to vector<16xi32>
    %add3A_85 = arith.addi %iota3A_82, %add3A_84 : vector<16xi32>
    %mul3A_86 = arith.constant 200 : i32
    %mul3A_87 = vector.broadcast %mul3A_86 : i32 to vector<16xi32>
    %mul3A_88 = arith.muli %add3A_85, %mul3A_87 : vector<16xi32>
    %swap3A_89 = arith.constant 112 : index
    %swap3A_90 = tpu.vector_load %arg8[%swap3A_89] {strides = array<i32>} : memref<128xi32, #tpu.memory_space<vmem>>, vector<16xi32>,
    %swap3A_91 = vector.shape_cast %swap3A_90 : vector<16xi32> to vector<16xi32>
    %swap3A_92 = vector.shape_cast %mul3A_88 : vector<16xi32> to vector<16xi32>
    tpu.vector_store %arg8[%swap3A_89], %swap3A_92 {strides = array<i32>} : memref<128xi32, #tpu.memory_space<vmem>>, vector<16xi32>,
    %dma_start3A = arith.constant 0 : i32
    %dma_start3A_93 = arith.constant 0 : i32
    %dma_start3A_94 = tpu.memref_slice %arg6[%dma_start3A, %dma_start3A_93] : memref<200x128xi32, #tpu.memory_space<vmem>> -> memref<1x128xi32, #tpu.memory_space<vmem>>
    %dma_start3A_95 = tpu.memref_squeeze %dma_start3A_94 : memref<1x128xi32, #tpu.memory_space<vmem>> -> memref<128xi32, #tpu.memory_space<vmem>>
    %dma_start3A_96 = arith.constant 0 : i32
    %dma_start3A_97 = arith.constant 0 : i32
    %dma_start3A_98 = tpu.memref_slice %arg3[%dma_start3A_96, %dma_start3A_97] : memref<100000x128xf32, #tpu.memory_space<hbm>> -> memref<100000x128xf32, #tpu.memory_space<hbm>>
    tpu.enqueue_indirect_dma source(%dma_start3A_98 : memref<100000x128xf32, #tpu.memory_space<hbm>>) target(%arg9 : memref<128x128xf32, #tpu.memory_space<vmem>>) offsets(%dma_start3A_95 : memref<128xi32, #tpu.memory_space<vmem>>) semaphore(%arg13 : memref<!tpu.dma_semaphore, #tpu.memory_space<semaphore_mem>>)
    %dma_start3A_99 = arith.constant 1 : i32
    %dma_start3A_100 = arith.constant 0 : i32
    %dma_start3A_101 = tpu.memref_slice %arg6[%dma_start3A_99, %dma_start3A_100] : memref<200x128xi32, #tpu.memory_space<vmem>> -> memref<1x128xi32, #tpu.memory_space<vmem>>
    %dma_start3A_102 = tpu.memref_squeeze %dma_start3A_101 : memref<1x128xi32, #tpu.memory_space<vmem>> -> memref<128xi32, #tpu.memory_space<vmem>>
    %dma_start3A_103 = arith.constant 0 : i32
    %dma_start3A_104 = arith.constant 0 : i32
    %dma_start3A_105 = tpu.memref_slice %arg3[%dma_start3A_103, %dma_start3A_104] : memref<100000x128xf32, #tpu.memory_space<hbm>> -> memref<100000x128xf32, #tpu.memory_space<hbm>>
    tpu.enqueue_indirect_dma source(%dma_start3A_105 : memref<100000x128xf32, #tpu.memory_space<hbm>>) target(%arg10 : memref<128x128xf32, #tpu.memory_space<vmem>>) offsets(%dma_start3A_102 : memref<128xi32, #tpu.memory_space<vmem>>) semaphore(%arg14 : memref<!tpu.dma_semaphore, #tpu.memory_space<semaphore_mem>>)
    %scan3A = arith.constant 0 : i32
    %scan3A_106 = arith.constant 0 : i32
    %scan3A_107 = arith.constant 50 : i32
    %scan3A_108 = arith.addi %scan3A_106, %scan3A_107 : i32
    %scan3A_109 = arith.constant 1 : i32
    scf.for %scan3A_122 = %scan3A_106 to %scan3A_108 step %scan3A_109  : i32 {
      %mul3A_123 = arith.constant 4 : i32
      %mul3A_124 = arith.muli %scan3A_122, %mul3A_123 : i32
      %add3A_125 = arith.constant 0 : i32
      %add3A_126 = arith.addi %mul3A_124, %add3A_125 : i32
      %ge3A = arith.constant 2 : i32
      %ge3A_127 = arith.cmpi sge, %add3A_126, %ge3A : i32
      %lt3A = arith.constant 198 : i32
      %lt3A_128 = arith.cmpi slt, %add3A_126, %lt3A : i32
      %and3A = arith.andi %ge3A_127, %lt3A_128 : i1
      %convert_element_type3A = arith.extui %and3A : i1 to i32
      %cond3A = arith.constant 0 : i32
      %cond3A_129 = arith.cmpi ne, %convert_element_type3A, %cond3A : i32
      scf.if %cond3A_129 {
        %dma_wait3A_888 = arith.constant 0 : i32
        %dma_wait3A_889 = arith.constant 0 : i32
        %dma_wait3A_890 = tpu.memref_slice %arg5[%dma_wait3A_888, %dma_wait3A_889] : memref<819200x128xf32, #tpu.memory_space<hbm>> -> memref<819200x128xf32, #tpu.memory_space<hbm>>
        tpu.wait_indirect_dma semaphore(%arg19 : memref<!tpu.dma_semaphore, #tpu.memory_space<semaphore_mem>>) src(%arg11 : memref<128x128xf32, #tpu.memory_space<vmem>>) dst(%dma_wait3A_890 : memref<819200x128xf32, #tpu.memory_space<hbm>>)
      } else {
      }
      %lt3A_130 = arith.constant 198 : i32
      %lt3A_131 = arith.cmpi slt, %add3A_126, %lt3A_130 : i32
      %convert_element_type3A_132 = arith.extui %lt3A_131 : i1 to i32
      %cond3A_133 = arith.constant 0 : i32
      %cond3A_134 = arith.cmpi ne, %convert_element_type3A_132, %cond3A_133 : i32
      scf.if %cond3A_134 {
        %add3A_888 = arith.constant 2 : i32
        %add3A_889 = arith.addi %add3A_126, %add3A_888 : i32
        %dma_start3A_890 = arith.constant 0 : i32
        %dma_start3A_891 = tpu.memref_slice %arg6[%add3A_889, %dma_start3A_890] : memref<200x128xi32, #tpu.memory_space<vmem>> -> memref<1x128xi32, #tpu.memory_space<vmem>>
        %dma_start3A_892 = tpu.memref_squeeze %dma_start3A_891 : memref<1x128xi32, #tpu.memory_space<vmem>> -> memref<128xi32, #tpu.memory_space<vmem>>
        %dma_start3A_893 = arith.constant 0 : i32
        %dma_start3A_894 = arith.constant 0 : i32
        %dma_start3A_895 = tpu.memref_slice %arg3[%dma_start3A_893, %dma_start3A_894] : memref<100000x128xf32, #tpu.memory_space<hbm>> -> memref<100000x128xf32, #tpu.memory_space<hbm>>
        tpu.enqueue_indirect_dma source(%dma_start3A_895 : memref<100000x128xf32, #tpu.memory_space<hbm>>) target(%arg11 : memref<128x128xf32, #tpu.memory_space<vmem>>) offsets(%dma_start3A_892 : memref<128xi32, #tpu.memory_space<vmem>>) semaphore(%arg15 : memref<!tpu.dma_semaphore, #tpu.memory_space<semaphore_mem>>)
      } else {
      }
      %dma_wait3A_135 = arith.constant 0 : i32
      %dma_wait3A_136 = arith.constant 0 : i32
      %dma_wait3A_137 = tpu.memref_slice %arg3[%dma_wait3A_135, %dma_wait3A_136] : memref<100000x128xf32, #tpu.memory_space<hbm>> -> memref<128x128xf32, #tpu.memory_space<hbm>>
      %dma_wait3A_138 = arith.constant 0 : i32
      %dma_wait3A_139 = arith.constant 0 : i32
      %dma_wait3A_140 = tpu.memref_slice %arg3[%dma_wait3A_138, %dma_wait3A_139] : memref<100000x128xf32, #tpu.memory_space<hbm>> -> memref<128x128xf32, #tpu.memory_space<hbm>>
      tpu.wait_dma2 semaphore(%arg13 : memref<!tpu.dma_semaphore, #tpu.memory_space<semaphore_mem>>) src(%dma_wait3A_140 : memref<128x128xf32, #tpu.memory_space<hbm>>) dst(%arg9 : memref<128x128xf32, #tpu.memory_space<vmem>>)
      %jit3A = arith.constant 200 : i32
      %eq3A = arith.constant 0 : i32
      %eq3A_141 = arith.cmpi eq, %jit3A, %eq3A : i32
      %jit3A_142 = arith.constant 1 : i32
      %select_n3A = arith.select %eq3A_141, %jit3A_142, %jit3A : i32
      %rem3A = arith.remsi %add3A_126, %select_n3A : i32
      %ne3A = arith.constant 0 : i32
      %ne3A_143 = arith.cmpi ne, %rem3A, %ne3A : i32
      %lt3A_144 = arith.constant 0 : i32
      %lt3A_145 = arith.cmpi slt, %rem3A, %lt3A_144 : i32
      %lt3A_146 = arith.constant 0 : i32
      %lt3A_147 = arith.cmpi slt, %select_n3A, %lt3A_146 : i32
      %ne3A_148 = arith.xori %lt3A_145, %lt3A_147 : i1
      %and3A_149 = arith.andi %ne3A_148, %ne3A_143 : i1
      %add3A_150 = arith.addi %rem3A, %select_n3A : i32
      %select_n3A_151 = arith.select %and3A_149, %add3A_150, %rem3A : i32
      %get3A = arith.index_cast %select_n3A_151 : i32 to index
      %get3A_152 = arith.constant 0 : index
      %get3A_153 = tpu.vector_load %arg7[%get3A, %get3A_152] {strides = array<i32>} : memref<200x128xf32, #tpu.memory_space<vmem>>, vector<1x16xf32>,
      %get3A_154 = vector.shape_cast %get3A_153 : vector<1x16xf32> to vector<16xf32>
      %get3A_155 = arith.index_cast %select_n3A_151 : i32 to index
      %get3A_156 = arith.constant 16 : index
      %get3A_157 = tpu.vector_load %arg7[%get3A_155, %get3A_156] {strides = array<i32>} : memref<200x128xf32, #tpu.memory_space<vmem>>, vector<1x16xf32>,
      %get3A_158 = vector.shape_cast %get3A_157 : vector<1x16xf32> to vector<16xf32>
      %get3A_159 = arith.index_cast %select_n3A_151 : i32 to index
      %get3A_160 = arith.constant 32 : index
      %get3A_161 = tpu.vector_load %arg7[%get3A_159, %get3A_160] {strides = array<i32>} : memref<200x128xf32, #tpu.memory_space<vmem>>, vector<1x16xf32>,
      %get3A_162 = vector.shape_cast %get3A_161 : vector<1x16xf32> to vector<16xf32>
      %get3A_163 = arith.index_cast %select_n3A_151 : i32 to index
      %get3A_164 = arith.constant 48 : index
      %get3A_165 = tpu.vector_load %arg7[%get3A_163, %get3A_164] {strides = array<i32>} : memref<200x128xf32, #tpu.memory_space<vmem>>, vector<1x16xf32>,
      %get3A_166 = vector.shape_cast %get3A_165 : vector<1x16xf32> to vector<16xf32>
      %get3A_167 = arith.index_cast %select_n3A_151 : i32 to index
      %get3A_168 = arith.constant 64 : index
      %get3A_169 = tpu.vector_load %arg7[%get3A_167, %get3A_168] {strides = array<i32>} : memref<200x128xf32, #tpu.memory_space<vmem>>, vector<1x16xf32>,
      %get3A_170 = vector.shape_cast %get3A_169 : vector<1x16xf32> to vector<16xf32>
      %get3A_171 = arith.index_cast %select_n3A_151 : i32 to index
      %get3A_172 = arith.constant 80 : index
      %get3A_173 = tpu.vector_load %arg7[%get3A_171, %get3A_172] {strides = array<i32>} : memref<200x128xf32, #tpu.memory_space<vmem>>, vector<1x16xf32>,
      %get3A_174 = vector.shape_cast %get3A_173 : vector<1x16xf32> to vector<16xf32>
      %get3A_175 = arith.index_cast %select_n3A_151 : i32 to index
      %get3A_176 = arith.constant 96 : index
      %get3A_177 = tpu.vector_load %arg7[%get3A_175, %get3A_176] {strides = array<i32>} : memref<200x128xf32, #tpu.memory_space<vmem>>, vector<1x16xf32>,
      %get3A_178 = vector.shape_cast %get3A_177 : vector<1x16xf32> to vector<16xf32>
      %get3A_179 = arith.index_cast %select_n3A_151 : i32 to index
      %get3A_180 = arith.constant 112 : index
      %get3A_181 = tpu.vector_load %arg7[%get3A_179, %get3A_180] {strides = array<i32>} : memref<200x128xf32, #tpu.memory_space<vmem>>, vector<1x16xf32>,
      %get3A_182 = vector.shape_cast %get3A_181 : vector<1x16xf32> to vector<16xf32>
      %parallel_loop3A = arith.constant 0 : i32
      %parallel_loop3A_183 = arith.constant 128 : i32
      %parallel_loop3A_184 = arith.constant 1 : i32
      scf.for %parallel_loop3A_888 = %parallel_loop3A to %parallel_loop3A_183 step %parallel_loop3A_184  : i32 {
        %parallel_loop3A_889 = arith.index_cast %parallel_loop3A_888 : i32 to index
        %parallel_loop3A_890 = arith.constant 0 : index
        %parallel_loop3A_891 = tpu.vector_load %arg9[%parallel_loop3A_889, %parallel_loop3A_890] {strides = array<i32>} : memref<128x128xf32, #tpu.memory_space<vmem>>, vector<1x16xf32>,
        %parallel_loop3A_892 = vector.shape_cast %parallel_loop3A_891 : vector<1x16xf32> to vector<16xf32>
        %parallel_loop3A_893 = vector.shape_cast %get3A_154 : vector<16xf32> to vector<1x16xf32>
        tpu.vector_store %arg9[%parallel_loop3A_889, %parallel_loop3A_890], %parallel_loop3A_893 {add = true, strides = array<i32>} : memref<128x128xf32, #tpu.memory_space<vmem>>, vector<1x16xf32>,
        %parallel_loop3A_894 = arith.index_cast %parallel_loop3A_888 : i32 to index
        %parallel_loop3A_895 = arith.constant 16 : index
        %parallel_loop3A_896 = tpu.vector_load %arg9[%parallel_loop3A_894, %parallel_loop3A_895] {strides = array<i32>} : memref<128x128xf32, #tpu.memory_space<vmem>>, vector<1x16xf32>,
        %parallel_loop3A_897 = vector.shape_cast %parallel_loop3A_896 : vector<1x16xf32> to vector<16xf32>
        %parallel_loop3A_898 = vector.shape_cast %get3A_158 : vector<16xf32> to vector<1x16xf32>
        tpu.vector_store %arg9[%parallel_loop3A_894, %parallel_loop3A_895], %parallel_loop3A_898 {add = true, strides = array<i32>} : memref<128x128xf32, #tpu.memory_space<vmem>>, vector<1x16xf32>,
        %parallel_loop3A_899 = arith.index_cast %parallel_loop3A_888 : i32 to index
        %parallel_loop3A_900 = arith.constant 32 : index
        %parallel_loop3A_901 = tpu.vector_load %arg9[%parallel_loop3A_899, %parallel_loop3A_900] {strides = array<i32>} : memref<128x128xf32, #tpu.memory_space<vmem>>, vector<1x16xf32>,
        %parallel_loop3A_902 = vector.shape_cast %parallel_loop3A_901 : vector<1x16xf32> to vector<16xf32>
        %parallel_loop3A_903 = vector.shape_cast %get3A_162 : vector<16xf32> to vector<1x16xf32>
        tpu.vector_store %arg9[%parallel_loop3A_899, %parallel_loop3A_900], %parallel_loop3A_903 {add = true, strides = array<i32>} : memref<128x128xf32, #tpu.memory_space<vmem>>, vector<1x16xf32>,
        %parallel_loop3A_904 = arith.index_cast %parallel_loop3A_888 : i32 to index
        %parallel_loop3A_905 = arith.constant 48 : index
        %parallel_loop3A_906 = tpu.vector_load %arg9[%parallel_loop3A_904, %parallel_loop3A_905] {strides = array<i32>} : memref<128x128xf32, #tpu.memory_space<vmem>>, vector<1x16xf32>,
        %parallel_loop3A_907 = vector.shape_cast %parallel_loop3A_906 : vector<1x16xf32> to vector<16xf32>
        %parallel_loop3A_908 = vector.shape_cast %get3A_166 : vector<16xf32> to vector<1x16xf32>
        tpu.vector_store %arg9[%parallel_loop3A_904, %parallel_loop3A_905], %parallel_loop3A_908 {add = true, strides = array<i32>} : memref<128x128xf32, #tpu.memory_space<vmem>>, vector<1x16xf32>,
        %parallel_loop3A_909 = arith.index_cast %parallel_loop3A_888 : i32 to index
        %parallel_loop3A_910 = arith.constant 64 : index
        %parallel_loop3A_911 = tpu.vector_load %arg9[%parallel_loop3A_909, %parallel_loop3A_910] {strides = array<i32>} : memref<128x128xf32, #tpu.memory_space<vmem>>, vector<1x16xf32>,
        %parallel_loop3A_912 = vector.shape_cast %parallel_loop3A_911 : vector<1x16xf32> to vector<16xf32>
        %parallel_loop3A_913 = vector.shape_cast %get3A_170 : vector<16xf32> to vector<1x16xf32>
        tpu.vector_store %arg9[%parallel_loop3A_909, %parallel_loop3A_910], %parallel_loop3A_913 {add = true, strides = array<i32>} : memref<128x128xf32, #tpu.memory_space<vmem>>, vector<1x16xf32>,
        %parallel_loop3A_914 = arith.index_cast %parallel_loop3A_888 : i32 to index
        %parallel_loop3A_915 = arith.constant 80 : index
        %parallel_loop3A_916 = tpu.vector_load %arg9[%parallel_loop3A_914, %parallel_loop3A_915] {strides = array<i32>} : memref<128x128xf32, #tpu.memory_space<vmem>>, vector<1x16xf32>,
        %parallel_loop3A_917 = vector.shape_cast %parallel_loop3A_916 : vector<1x16xf32> to vector<16xf32>
        %parallel_loop3A_918 = vector.shape_cast %get3A_174 : vector<16xf32> to vector<1x16xf32>
        tpu.vector_store %arg9[%parallel_loop3A_914, %parallel_loop3A_915], %parallel_loop3A_918 {add = true, strides = array<i32>} : memref<128x128xf32, #tpu.memory_space<vmem>>, vector<1x16xf32>,
        %parallel_loop3A_919 = arith.index_cast %parallel_loop3A_888 : i32 to index
        %parallel_loop3A_920 = arith.constant 96 : index
        %parallel_loop3A_921 = tpu.vector_load %arg9[%parallel_loop3A_919, %parallel_loop3A_920] {strides = array<i32>} : memref<128x128xf32, #tpu.memory_space<vmem>>, vector<1x16xf32>,
        %parallel_loop3A_922 = vector.shape_cast %parallel_loop3A_921 : vector<1x16xf32> to vector<16xf32>
        %parallel_loop3A_923 = vector.shape_cast %get3A_178 : vector<16xf32> to vector<1x16xf32>
        tpu.vector_store %arg9[%parallel_loop3A_919, %parallel_loop3A_920], %parallel_loop3A_923 {add = true, strides = array<i32>} : memref<128x128xf32, #tpu.memory_space<vmem>>, vector<1x16xf32>,
        %parallel_loop3A_924 = arith.index_cast %parallel_loop3A_888 : i32 to index
        %parallel_loop3A_925 = arith.constant 112 : index
        %parallel_loop3A_926 = tpu.vector_load %arg9[%parallel_loop3A_924, %parallel_loop3A_925] {strides = array<i32>} : memref<128x128xf32, #tpu.memory_space<vmem>>, vector<1x16xf32>,
        %parallel_loop3A_927 = vector.shape_cast %parallel_loop3A_926 : vector<1x16xf32> to vector<16xf32>
        %parallel_loop3A_928 = vector.shape_cast %get3A_182 : vector<16xf32> to vector<1x16xf32>
        tpu.vector_store %arg9[%parallel_loop3A_924, %parallel_loop3A_925], %parallel_loop3A_928 {add = true, strides = array<i32>} : memref<128x128xf32, #tpu.memory_space<vmem>>, vector<1x16xf32>,
      } {sc.loop_unroll_factor = 2 : i64, sc.parallel_access}
      %jit3A_185 = arith.constant 200 : i32
      %div3A = arith.divsi %add3A_126, %jit3A_185 : i32
      %sign3A = arith.constant 0 : i32
      %sign3A_186 = arith.cmpi sgt, %add3A_126, %sign3A : i32
      %sign3A_187 = arith.extui %sign3A_186 : i1 to i32
      %sign3A_188 = arith.constant 0 : i32
      %sign3A_189 = arith.cmpi slt, %add3A_126, %sign3A_188 : i32
      %sign3A_190 = arith.extui %sign3A_189 : i1 to i32
      %sign3A_191 = arith.subi %sign3A_187, %sign3A_190 : i32
      %sign3A_192 = arith.constant 0 : i32
      %sign3A_193 = arith.cmpi sgt, %jit3A_185, %sign3A_192 : i32
      %sign3A_194 = arith.extui %sign3A_193 : i1 to i32
      %sign3A_195 = arith.constant 0 : i32
      %sign3A_196 = arith.cmpi slt, %jit3A_185, %sign3A_195 : i32
      %sign3A_197 = arith.extui %sign3A_196 : i1 to i32
      %sign3A_198 = arith.subi %sign3A_194, %sign3A_197 : i32
      %ne3A_199 = arith.cmpi ne, %sign3A_191, %sign3A_198 : i32
      %rem3A_200 = arith.remsi %add3A_126, %jit3A_185 : i32
      %ne3A_201 = arith.constant 0 : i32
      %ne3A_202 = arith.cmpi ne, %rem3A_200, %ne3A_201 : i32
      %and3A_203 = arith.andi %ne3A_199, %ne3A_202 : i1
      %sub3A = arith.constant 1 : i32
      %sub3A_204 = arith.subi %div3A, %sub3A : i32
      %select_n3A_205 = arith.select %and3A_203, %sub3A_204, %div3A : i32
      %jit3A_206 = arith.constant 200 : i32
      %eq3A_207 = arith.constant 0 : i32
      %eq3A_208 = arith.cmpi eq, %jit3A_206, %eq3A_207 : i32
      %jit3A_209 = arith.constant 1 : i32
      %select_n3A_210 = arith.select %eq3A_208, %jit3A_209, %jit3A_206 : i32
      %rem3A_211 = arith.remsi %add3A_126, %select_n3A_210 : i32
      %ne3A_212 = arith.constant 0 : i32
      %ne3A_213 = arith.cmpi ne, %rem3A_211, %ne3A_212 : i32
      %lt3A_214 = arith.constant 0 : i32
      %lt3A_215 = arith.cmpi slt, %rem3A_211, %lt3A_214 : i32
      %lt3A_216 = arith.constant 0 : i32
      %lt3A_217 = arith.cmpi slt, %select_n3A_210, %lt3A_216 : i32
      %ne3A_218 = arith.xori %lt3A_215, %lt3A_217 : i1
      %and3A_219 = arith.andi %ne3A_218, %ne3A_213 : i1
      %add3A_220 = arith.addi %rem3A_211, %select_n3A_210 : i32
      %select_n3A_221 = arith.select %and3A_219, %add3A_220, %rem3A_211 : i32
      %mul3A_222 = arith.constant 128 : i32
      %mul3A_223 = arith.muli %select_n3A_205, %mul3A_222 : i32
      %mul3A_224 = arith.constant 200 : i32
      %mul3A_225 = arith.muli %mul3A_223, %mul3A_224 : i32
      %add3A_226 = arith.addi %mul3A_4, %mul3A_225 : i32
      %add3A_227 = arith.addi %add3A_226, %select_n3A_221 : i32
      %get3A_228 = arith.constant 0 : index
      %get3A_229 = tpu.vector_load %arg8[%get3A_228] {strides = array<i32>} : memref<128xi32, #tpu.memory_space<vmem>>, vector<16xi32>,
      %get3A_230 = vector.shape_cast %get3A_229 : vector<16xi32> to vector<16xi32>
      %add3A_231 = vector.broadcast %add3A_227 : i32 to vector<16xi32>
      %add3A_232 = arith.addi %get3A_230, %add3A_231 : vector<16xi32>
      %swap3A_233 = arith.constant 0 : index
      %swap3A_234 = tpu.vector_load %arg21[%swap3A_233] {strides = array<i32>} : memref<128xi32, #tpu.memory_space<vmem>>, vector<16xi32>,
      %swap3A_235 = vector.shape_cast %swap3A_234 : vector<16xi32> to vector<16xi32>
      %swap3A_236 = vector.shape_cast %add3A_232 : vector<16xi32> to vector<16xi32>
      tpu.vector_store %arg21[%swap3A_233], %swap3A_236 {strides = array<i32>} : memref<128xi32, #tpu.memory_space<vmem>>, vector<16xi32>,
      %get3A_237 = arith.constant 16 : index
      %get3A_238 = tpu.vector_load %arg8[%get3A_237] {strides = array<i32>} : memref<128xi32, #tpu.memory_space<vmem>>, vector<16xi32>,
      %get3A_239 = vector.shape_cast %get3A_238 : vector<16xi32> to vector<16xi32>
      %add3A_240 = vector.broadcast %add3A_227 : i32 to vector<16xi32>
      %add3A_241 = arith.addi %get3A_239, %add3A_240 : vector<16xi32>
      %swap3A_242 = arith.constant 16 : index
      %swap3A_243 = tpu.vector_load %arg21[%swap3A_242] {strides = array<i32>} : memref<128xi32, #tpu.memory_space<vmem>>, vector<16xi32>,
      %swap3A_244 = vector.shape_cast %swap3A_243 : vector<16xi32> to vector<16xi32>
      %swap3A_245 = vector.shape_cast %add3A_241 : vector<16xi32> to vector<16xi32>
      tpu.vector_store %arg21[%swap3A_242], %swap3A_245 {strides = array<i32>} : memref<128xi32, #tpu.memory_space<vmem>>, vector<16xi32>,
      %get3A_246 = arith.constant 32 : index
      %get3A_247 = tpu.vector_load %arg8[%get3A_246] {strides = array<i32>} : memref<128xi32, #tpu.memory_space<vmem>>, vector<16xi32>,
      %get3A_248 = vector.shape_cast %get3A_247 : vector<16xi32> to vector<16xi32>
      %add3A_249 = vector.broadcast %add3A_227 : i32 to vector<16xi32>
      %add3A_250 = arith.addi %get3A_248, %add3A_249 : vector<16xi32>
      %swap3A_251 = arith.constant 32 : index
      %swap3A_252 = tpu.vector_load %arg21[%swap3A_251] {strides = array<i32>} : memref<128xi32, #tpu.memory_space<vmem>>, vector<16xi32>,
      %swap3A_253 = vector.shape_cast %swap3A_252 : vector<16xi32> to vector<16xi32>
      %swap3A_254 = vector.shape_cast %add3A_250 : vector<16xi32> to vector<16xi32>
      tpu.vector_store %arg21[%swap3A_251], %swap3A_254 {strides = array<i32>} : memref<128xi32, #tpu.memory_space<vmem>>, vector<16xi32>,
      %get3A_255 = arith.constant 48 : index
      %get3A_256 = tpu.vector_load %arg8[%get3A_255] {strides = array<i32>} : memref<128xi32, #tpu.memory_space<vmem>>, vector<16xi32>,
      %get3A_257 = vector.shape_cast %get3A_256 : vector<16xi32> to vector<16xi32>
      %add3A_258 = vector.broadcast %add3A_227 : i32 to vector<16xi32>
      %add3A_259 = arith.addi %get3A_257, %add3A_258 : vector<16xi32>
      %swap3A_260 = arith.constant 48 : index
      %swap3A_261 = tpu.vector_load %arg21[%swap3A_260] {strides = array<i32>} : memref<128xi32, #tpu.memory_space<vmem>>, vector<16xi32>,
      %swap3A_262 = vector.shape_cast %swap3A_261 : vector<16xi32> to vector<16xi32>
      %swap3A_263 = vector.shape_cast %add3A_259 : vector<16xi32> to vector<16xi32>
      tpu.vector_store %arg21[%swap3A_260], %swap3A_263 {strides = array<i32>} : memref<128xi32, #tpu.memory_space<vmem>>, vector<16xi32>,
      %get3A_264 = arith.constant 64 : index
      %get3A_265 = tpu.vector_load %arg8[%get3A_264] {strides = array<i32>} : memref<128xi32, #tpu.memory_space<vmem>>, vector<16xi32>,
      %get3A_266 = vector.shape_cast %get3A_265 : vector<16xi32> to vector<16xi32>
      %add3A_267 = vector.broadcast %add3A_227 : i32 to vector<16xi32>
      %add3A_268 = arith.addi %get3A_266, %add3A_267 : vector<16xi32>
      %swap3A_269 = arith.constant 64 : index
      %swap3A_270 = tpu.vector_load %arg21[%swap3A_269] {strides = array<i32>} : memref<128xi32, #tpu.memory_space<vmem>>, vector<16xi32>,
      %swap3A_271 = vector.shape_cast %swap3A_270 : vector<16xi32> to vector<16xi32>
      %swap3A_272 = vector.shape_cast %add3A_268 : vector<16xi32> to vector<16xi32>
      tpu.vector_store %arg21[%swap3A_269], %swap3A_272 {strides = array<i32>} : memref<128xi32, #tpu.memory_space<vmem>>, vector<16xi32>,
      %get3A_273 = arith.constant 80 : index
      %get3A_274 = tpu.vector_load %arg8[%get3A_273] {strides = array<i32>} : memref<128xi32, #tpu.memory_space<vmem>>, vector<16xi32>,
      %get3A_275 = vector.shape_cast %get3A_274 : vector<16xi32> to vector<16xi32>
      %add3A_276 = vector.broadcast %add3A_227 : i32 to vector<16xi32>
      %add3A_277 = arith.addi %get3A_275, %add3A_276 : vector<16xi32>
      %swap3A_278 = arith.constant 80 : index
      %swap3A_279 = tpu.vector_load %arg21[%swap3A_278] {strides = array<i32>} : memref<128xi32, #tpu.memory_space<vmem>>, vector<16xi32>,
      %swap3A_280 = vector.shape_cast %swap3A_279 : vector<16xi32> to vector<16xi32>
      %swap3A_281 = vector.shape_cast %add3A_277 : vector<16xi32> to vector<16xi32>
      tpu.vector_store %arg21[%swap3A_278], %swap3A_281 {strides = array<i32>} : memref<128xi32, #tpu.memory_space<vmem>>, vector<16xi32>,
      %get3A_282 = arith.constant 96 : index
      %get3A_283 = tpu.vector_load %arg8[%get3A_282] {strides = array<i32>} : memref<128xi32, #tpu.memory_space<vmem>>, vector<16xi32>,
      %get3A_284 = vector.shape_cast %get3A_283 : vector<16xi32> to vector<16xi32>
      %add3A_285 = vector.broadcast %add3A_227 : i32 to vector<16xi32>
      %add3A_286 = arith.addi %get3A_284, %add3A_285 : vector<16xi32>
      %swap3A_287 = arith.constant 96 : index
      %swap3A_288 = tpu.vector_load %arg21[%swap3A_287] {strides = array<i32>} : memref<128xi32, #tpu.memory_space<vmem>>, vector<16xi32>,
      %swap3A_289 = vector.shape_cast %swap3A_288 : vector<16xi32> to vector<16xi32>
      %swap3A_290 = vector.shape_cast %add3A_286 : vector<16xi32> to vector<16xi32>
      tpu.vector_store %arg21[%swap3A_287], %swap3A_290 {strides = array<i32>} : memref<128xi32, #tpu.memory_space<vmem>>, vector<16xi32>,
      %get3A_291 = arith.constant 112 : index
      %get3A_292 = tpu.vector_load %arg8[%get3A_291] {strides = array<i32>} : memref<128xi32, #tpu.memory_space<vmem>>, vector<16xi32>,
      %get3A_293 = vector.shape_cast %get3A_292 : vector<16xi32> to vector<16xi32>
      %add3A_294 = vector.broadcast %add3A_227 : i32 to vector<16xi32>
      %add3A_295 = arith.addi %get3A_293, %add3A_294 : vector<16xi32>
      %swap3A_296 = arith.constant 112 : index
      %swap3A_297 = tpu.vector_load %arg21[%swap3A_296] {strides = array<i32>} : memref<128xi32, #tpu.memory_space<vmem>>, vector<16xi32>,
      %swap3A_298 = vector.shape_cast %swap3A_297 : vector<16xi32> to vector<16xi32>
      %swap3A_299 = vector.shape_cast %add3A_295 : vector<16xi32> to vector<16xi32>
      tpu.vector_store %arg21[%swap3A_296], %swap3A_299 {strides = array<i32>} : memref<128xi32, #tpu.memory_space<vmem>>, vector<16xi32>,
      %dma_start3A_300 = arith.constant 0 : i32
      %dma_start3A_301 = arith.constant 0 : i32
      %dma_start3A_302 = tpu.memref_slice %arg5[%dma_start3A_300, %dma_start3A_301] : memref<819200x128xf32, #tpu.memory_space<hbm>> -> memref<819200x128xf32, #tpu.memory_space<hbm>>
      tpu.enqueue_indirect_dma source(%arg9 : memref<128x128xf32, #tpu.memory_space<vmem>>) target(%dma_start3A_302 : memref<819200x128xf32, #tpu.memory_space<hbm>>) offsets(%arg21 : memref<128xi32, #tpu.memory_space<vmem>>) semaphore(%arg17 : memref<!tpu.dma_semaphore, #tpu.memory_space<semaphore_mem>>)
      %mul3A_303 = arith.constant 4 : i32
      %mul3A_304 = arith.muli %scan3A_122, %mul3A_303 : i32
      %add3A_305 = arith.constant 1 : i32
      %add3A_306 = arith.addi %mul3A_304, %add3A_305 : i32
      %ge3A_307 = arith.constant 2 : i32
      %ge3A_308 = arith.cmpi sge, %add3A_306, %ge3A_307 : i32
      %lt3A_309 = arith.constant 198 : i32
      %lt3A_310 = arith.cmpi slt, %add3A_306, %lt3A_309 : i32
      %and3A_311 = arith.andi %ge3A_308, %lt3A_310 : i1
      %convert_element_type3A_312 = arith.extui %and3A_311 : i1 to i32
      %cond3A_313 = arith.constant 0 : i32
      %cond3A_314 = arith.cmpi ne, %convert_element_type3A_312, %cond3A_313 : i32
      scf.if %cond3A_314 {
        %dma_wait3A_888 = arith.constant 0 : i32
        %dma_wait3A_889 = arith.constant 0 : i32
        %dma_wait3A_890 = tpu.memref_slice %arg5[%dma_wait3A_888, %dma_wait3A_889] : memref<819200x128xf32, #tpu.memory_space<hbm>> -> memref<819200x128xf32, #tpu.memory_space<hbm>>
        tpu.wait_indirect_dma semaphore(%arg20 : memref<!tpu.dma_semaphore, #tpu.memory_space<semaphore_mem>>) src(%arg12 : memref<128x128xf32, #tpu.memory_space<vmem>>) dst(%dma_wait3A_890 : memref<819200x128xf32, #tpu.memory_space<hbm>>)
      } else {
      }
      %lt3A_315 = arith.constant 198 : i32
      %lt3A_316 = arith.cmpi slt, %add3A_306, %lt3A_315 : i32
      %convert_element_type3A_317 = arith.extui %lt3A_316 : i1 to i32
      %cond3A_318 = arith.constant 0 : i32
      %cond3A_319 = arith.cmpi ne, %convert_element_type3A_317, %cond3A_318 : i32
      scf.if %cond3A_319 {
        %add3A_888 = arith.constant 2 : i32
        %add3A_889 = arith.addi %add3A_306, %add3A_888 : i32
        %dma_start3A_890 = arith.constant 0 : i32
        %dma_start3A_891 = tpu.memref_slice %arg6[%add3A_889, %dma_start3A_890] : memref<200x128xi32, #tpu.memory_space<vmem>> -> memref<1x128xi32, #tpu.memory_space<vmem>>
        %dma_start3A_892 = tpu.memref_squeeze %dma_start3A_891 : memref<1x128xi32, #tpu.memory_space<vmem>> -> memref<128xi32, #tpu.memory_space<vmem>>
        %dma_start3A_893 = arith.constant 0 : i32
        %dma_start3A_894 = arith.constant 0 : i32
        %dma_start3A_895 = tpu.memref_slice %arg3[%dma_start3A_893, %dma_start3A_894] : memref<100000x128xf32, #tpu.memory_space<hbm>> -> memref<100000x128xf32, #tpu.memory_space<hbm>>
        tpu.enqueue_indirect_dma source(%dma_start3A_895 : memref<100000x128xf32, #tpu.memory_space<hbm>>) target(%arg12 : memref<128x128xf32, #tpu.memory_space<vmem>>) offsets(%dma_start3A_892 : memref<128xi32, #tpu.memory_space<vmem>>) semaphore(%arg16 : memref<!tpu.dma_semaphore, #tpu.memory_space<semaphore_mem>>)
      } else {
      }
      %dma_wait3A_320 = arith.constant 0 : i32
      %dma_wait3A_321 = arith.constant 0 : i32
      %dma_wait3A_322 = tpu.memref_slice %arg3[%dma_wait3A_320, %dma_wait3A_321] : memref<100000x128xf32, #tpu.memory_space<hbm>> -> memref<128x128xf32, #tpu.memory_space<hbm>>
      %dma_wait3A_323 = arith.constant 0 : i32
      %dma_wait3A_324 = arith.constant 0 : i32
      %dma_wait3A_325 = tpu.memref_slice %arg3[%dma_wait3A_323, %dma_wait3A_324] : memref<100000x128xf32, #tpu.memory_space<hbm>> -> memref<128x128xf32, #tpu.memory_space<hbm>>
      tpu.wait_dma2 semaphore(%arg14 : memref<!tpu.dma_semaphore, #tpu.memory_space<semaphore_mem>>) src(%dma_wait3A_325 : memref<128x128xf32, #tpu.memory_space<hbm>>) dst(%arg10 : memref<128x128xf32, #tpu.memory_space<vmem>>)
      %jit3A_326 = arith.constant 200 : i32
      %eq3A_327 = arith.constant 0 : i32
      %eq3A_328 = arith.cmpi eq, %jit3A_326, %eq3A_327 : i32
      %jit3A_329 = arith.constant 1 : i32
      %select_n3A_330 = arith.select %eq3A_328, %jit3A_329, %jit3A_326 : i32
      %rem3A_331 = arith.remsi %add3A_306, %select_n3A_330 : i32
      %ne3A_332 = arith.constant 0 : i32
      %ne3A_333 = arith.cmpi ne, %rem3A_331, %ne3A_332 : i32
      %lt3A_334 = arith.constant 0 : i32
      %lt3A_335 = arith.cmpi slt, %rem3A_331, %lt3A_334 : i32
      %lt3A_336 = arith.constant 0 : i32
      %lt3A_337 = arith.cmpi slt, %select_n3A_330, %lt3A_336 : i32
      %ne3A_338 = arith.xori %lt3A_335, %lt3A_337 : i1
      %and3A_339 = arith.andi %ne3A_338, %ne3A_333 : i1
      %add3A_340 = arith.addi %rem3A_331, %select_n3A_330 : i32
      %select_n3A_341 = arith.select %and3A_339, %add3A_340, %rem3A_331 : i32
      %get3A_342 = arith.index_cast %select_n3A_341 : i32 to index
      %get3A_343 = arith.constant 0 : index
      %get3A_344 = tpu.vector_load %arg7[%get3A_342, %get3A_343] {strides = array<i32>} : memref<200x128xf32, #tpu.memory_space<vmem>>, vector<1x16xf32>,
      %get3A_345 = vector.shape_cast %get3A_344 : vector<1x16xf32> to vector<16xf32>
      %get3A_346 = arith.index_cast %select_n3A_341 : i32 to index
      %get3A_347 = arith.constant 16 : index
      %get3A_348 = tpu.vector_load %arg7[%get3A_346, %get3A_347] {strides = array<i32>} : memref<200x128xf32, #tpu.memory_space<vmem>>, vector<1x16xf32>,
      %get3A_349 = vector.shape_cast %get3A_348 : vector<1x16xf32> to vector<16xf32>
      %get3A_350 = arith.index_cast %select_n3A_341 : i32 to index
      %get3A_351 = arith.constant 32 : index
      %get3A_352 = tpu.vector_load %arg7[%get3A_350, %get3A_351] {strides = array<i32>} : memref<200x128xf32, #tpu.memory_space<vmem>>, vector<1x16xf32>,
      %get3A_353 = vector.shape_cast %get3A_352 : vector<1x16xf32> to vector<16xf32>
      %get3A_354 = arith.index_cast %select_n3A_341 : i32 to index
      %get3A_355 = arith.constant 48 : index
      %get3A_356 = tpu.vector_load %arg7[%get3A_354, %get3A_355] {strides = array<i32>} : memref<200x128xf32, #tpu.memory_space<vmem>>, vector<1x16xf32>,
      %get3A_357 = vector.shape_cast %get3A_356 : vector<1x16xf32> to vector<16xf32>
      %get3A_358 = arith.index_cast %select_n3A_341 : i32 to index
      %get3A_359 = arith.constant 64 : index
      %get3A_360 = tpu.vector_load %arg7[%get3A_358, %get3A_359] {strides = array<i32>} : memref<200x128xf32, #tpu.memory_space<vmem>>, vector<1x16xf32>,
      %get3A_361 = vector.shape_cast %get3A_360 : vector<1x16xf32> to vector<16xf32>
      %get3A_362 = arith.index_cast %select_n3A_341 : i32 to index
      %get3A_363 = arith.constant 80 : index
      %get3A_364 = tpu.vector_load %arg7[%get3A_362, %get3A_363] {strides = array<i32>} : memref<200x128xf32, #tpu.memory_space<vmem>>, vector<1x16xf32>,
      %get3A_365 = vector.shape_cast %get3A_364 : vector<1x16xf32> to vector<16xf32>
      %get3A_366 = arith.index_cast %select_n3A_341 : i32 to index
      %get3A_367 = arith.constant 96 : index
      %get3A_368 = tpu.vector_load %arg7[%get3A_366, %get3A_367] {strides = array<i32>} : memref<200x128xf32, #tpu.memory_space<vmem>>, vector<1x16xf32>,
      %get3A_369 = vector.shape_cast %get3A_368 : vector<1x16xf32> to vector<16xf32>
      %get3A_370 = arith.index_cast %select_n3A_341 : i32 to index
      %get3A_371 = arith.constant 112 : index
      %get3A_372 = tpu.vector_load %arg7[%get3A_370, %get3A_371] {strides = array<i32>} : memref<200x128xf32, #tpu.memory_space<vmem>>, vector<1x16xf32>,
      %get3A_373 = vector.shape_cast %get3A_372 : vector<1x16xf32> to vector<16xf32>
      %parallel_loop3A_374 = arith.constant 0 : i32
      %parallel_loop3A_375 = arith.constant 128 : i32
      %parallel_loop3A_376 = arith.constant 1 : i32
      scf.for %parallel_loop3A_888 = %parallel_loop3A_374 to %parallel_loop3A_375 step %parallel_loop3A_376  : i32 {
        %parallel_loop3A_889 = arith.index_cast %parallel_loop3A_888 : i32 to index
        %parallel_loop3A_890 = arith.constant 0 : index
        %parallel_loop3A_891 = tpu.vector_load %arg10[%parallel_loop3A_889, %parallel_loop3A_890] {strides = array<i32>} : memref<128x128xf32, #tpu.memory_space<vmem>>, vector<1x16xf32>,
        %parallel_loop3A_892 = vector.shape_cast %parallel_loop3A_891 : vector<1x16xf32> to vector<16xf32>
        %parallel_loop3A_893 = vector.shape_cast %get3A_345 : vector<16xf32> to vector<1x16xf32>
        tpu.vector_store %arg10[%parallel_loop3A_889, %parallel_loop3A_890], %parallel_loop3A_893 {add = true, strides = array<i32>} : memref<128x128xf32, #tpu.memory_space<vmem>>, vector<1x16xf32>,
        %parallel_loop3A_894 = arith.index_cast %parallel_loop3A_888 : i32 to index
        %parallel_loop3A_895 = arith.constant 16 : index
        %parallel_loop3A_896 = tpu.vector_load %arg10[%parallel_loop3A_894, %parallel_loop3A_895] {strides = array<i32>} : memref<128x128xf32, #tpu.memory_space<vmem>>, vector<1x16xf32>,
        %parallel_loop3A_897 = vector.shape_cast %parallel_loop3A_896 : vector<1x16xf32> to vector<16xf32>
        %parallel_loop3A_898 = vector.shape_cast %get3A_349 : vector<16xf32> to vector<1x16xf32>
        tpu.vector_store %arg10[%parallel_loop3A_894, %parallel_loop3A_895], %parallel_loop3A_898 {add = true, strides = array<i32>} : memref<128x128xf32, #tpu.memory_space<vmem>>, vector<1x16xf32>,
        %parallel_loop3A_899 = arith.index_cast %parallel_loop3A_888 : i32 to index
        %parallel_loop3A_900 = arith.constant 32 : index
        %parallel_loop3A_901 = tpu.vector_load %arg10[%parallel_loop3A_899, %parallel_loop3A_900] {strides = array<i32>} : memref<128x128xf32, #tpu.memory_space<vmem>>, vector<1x16xf32>,
        %parallel_loop3A_902 = vector.shape_cast %parallel_loop3A_901 : vector<1x16xf32> to vector<16xf32>
        %parallel_loop3A_903 = vector.shape_cast %get3A_353 : vector<16xf32> to vector<1x16xf32>
        tpu.vector_store %arg10[%parallel_loop3A_899, %parallel_loop3A_900], %parallel_loop3A_903 {add = true, strides = array<i32>} : memref<128x128xf32, #tpu.memory_space<vmem>>, vector<1x16xf32>,
        %parallel_loop3A_904 = arith.index_cast %parallel_loop3A_888 : i32 to index
        %parallel_loop3A_905 = arith.constant 48 : index
        %parallel_loop3A_906 = tpu.vector_load %arg10[%parallel_loop3A_904, %parallel_loop3A_905] {strides = array<i32>} : memref<128x128xf32, #tpu.memory_space<vmem>>, vector<1x16xf32>,
        %parallel_loop3A_907 = vector.shape_cast %parallel_loop3A_906 : vector<1x16xf32> to vector<16xf32>
        %parallel_loop3A_908 = vector.shape_cast %get3A_357 : vector<16xf32> to vector<1x16xf32>
        tpu.vector_store %arg10[%parallel_loop3A_904, %parallel_loop3A_905], %parallel_loop3A_908 {add = true, strides = array<i32>} : memref<128x128xf32, #tpu.memory_space<vmem>>, vector<1x16xf32>,
        %parallel_loop3A_909 = arith.index_cast %parallel_loop3A_888 : i32 to index
        %parallel_loop3A_910 = arith.constant 64 : index
        %parallel_loop3A_911 = tpu.vector_load %arg10[%parallel_loop3A_909, %parallel_loop3A_910] {strides = array<i32>} : memref<128x128xf32, #tpu.memory_space<vmem>>, vector<1x16xf32>,
        %parallel_loop3A_912 = vector.shape_cast %parallel_loop3A_911 : vector<1x16xf32> to vector<16xf32>
        %parallel_loop3A_913 = vector.shape_cast %get3A_361 : vector<16xf32> to vector<1x16xf32>
        tpu.vector_store %arg10[%parallel_loop3A_909, %parallel_loop3A_910], %parallel_loop3A_913 {add = true, strides = array<i32>} : memref<128x128xf32, #tpu.memory_space<vmem>>, vector<1x16xf32>,
        %parallel_loop3A_914 = arith.index_cast %parallel_loop3A_888 : i32 to index
        %parallel_loop3A_915 = arith.constant 80 : index
        %parallel_loop3A_916 = tpu.vector_load %arg10[%parallel_loop3A_914, %parallel_loop3A_915] {strides = array<i32>} : memref<128x128xf32, #tpu.memory_space<vmem>>, vector<1x16xf32>,
        %parallel_loop3A_917 = vector.shape_cast %parallel_loop3A_916 : vector<1x16xf32> to vector<16xf32>
        %parallel_loop3A_918 = vector.shape_cast %get3A_365 : vector<16xf32> to vector<1x16xf32>
        tpu.vector_store %arg10[%parallel_loop3A_914, %parallel_loop3A_915], %parallel_loop3A_918 {add = true, strides = array<i32>} : memref<128x128xf32, #tpu.memory_space<vmem>>, vector<1x16xf32>,
        %parallel_loop3A_919 = arith.index_cast %parallel_loop3A_888 : i32 to index
        %parallel_loop3A_920 = arith.constant 96 : index
        %parallel_loop3A_921 = tpu.vector_load %arg10[%parallel_loop3A_919, %parallel_loop3A_920] {strides = array<i32>} : memref<128x128xf32, #tpu.memory_space<vmem>>, vector<1x16xf32>,
        %parallel_loop3A_922 = vector.shape_cast %parallel_loop3A_921 : vector<1x16xf32> to vector<16xf32>
        %parallel_loop3A_923 = vector.shape_cast %get3A_369 : vector<16xf32> to vector<1x16xf32>
        tpu.vector_store %arg10[%parallel_loop3A_919, %parallel_loop3A_920], %parallel_loop3A_923 {add = true, strides = array<i32>} : memref<128x128xf32, #tpu.memory_space<vmem>>, vector<1x16xf32>,
        %parallel_loop3A_924 = arith.index_cast %parallel_loop3A_888 : i32 to index
        %parallel_loop3A_925 = arith.constant 112 : index
        %parallel_loop3A_926 = tpu.vector_load %arg10[%parallel_loop3A_924, %parallel_loop3A_925] {strides = array<i32>} : memref<128x128xf32, #tpu.memory_space<vmem>>, vector<1x16xf32>,
        %parallel_loop3A_927 = vector.shape_cast %parallel_loop3A_926 : vector<1x16xf32> to vector<16xf32>
        %parallel_loop3A_928 = vector.shape_cast %get3A_373 : vector<16xf32> to vector<1x16xf32>
        tpu.vector_store %arg10[%parallel_loop3A_924, %parallel_loop3A_925], %parallel_loop3A_928 {add = true, strides = array<i32>} : memref<128x128xf32, #tpu.memory_space<vmem>>, vector<1x16xf32>,
      } {sc.loop_unroll_factor = 2 : i64, sc.parallel_access}
      %jit3A_377 = arith.constant 200 : i32
      %div3A_378 = arith.divsi %add3A_306, %jit3A_377 : i32
      %sign3A_379 = arith.constant 0 : i32
      %sign3A_380 = arith.cmpi sgt, %add3A_306, %sign3A_379 : i32
      %sign3A_381 = arith.extui %sign3A_380 : i1 to i32
      %sign3A_382 = arith.constant 0 : i32
      %sign3A_383 = arith.cmpi slt, %add3A_306, %sign3A_382 : i32
      %sign3A_384 = arith.extui %sign3A_383 : i1 to i32
      %sign3A_385 = arith.subi %sign3A_381, %sign3A_384 : i32
      %sign3A_386 = arith.constant 0 : i32
      %sign3A_387 = arith.cmpi sgt, %jit3A_377, %sign3A_386 : i32
      %sign3A_388 = arith.extui %sign3A_387 : i1 to i32
      %sign3A_389 = arith.constant 0 : i32
      %sign3A_390 = arith.cmpi slt, %jit3A_377, %sign3A_389 : i32
      %sign3A_391 = arith.extui %sign3A_390 : i1 to i32
      %sign3A_392 = arith.subi %sign3A_388, %sign3A_391 : i32
      %ne3A_393 = arith.cmpi ne, %sign3A_385, %sign3A_392 : i32
      %rem3A_394 = arith.remsi %add3A_306, %jit3A_377 : i32
      %ne3A_395 = arith.constant 0 : i32
      %ne3A_396 = arith.cmpi ne, %rem3A_394, %ne3A_395 : i32
      %and3A_397 = arith.andi %ne3A_393, %ne3A_396 : i1
      %sub3A_398 = arith.constant 1 : i32
      %sub3A_399 = arith.subi %div3A_378, %sub3A_398 : i32
      %select_n3A_400 = arith.select %and3A_397, %sub3A_399, %div3A_378 : i32
      %jit3A_401 = arith.constant 200 : i32
      %eq3A_402 = arith.constant 0 : i32
      %eq3A_403 = arith.cmpi eq, %jit3A_401, %eq3A_402 : i32
      %jit3A_404 = arith.constant 1 : i32
      %select_n3A_405 = arith.select %eq3A_403, %jit3A_404, %jit3A_401 : i32
      %rem3A_406 = arith.remsi %add3A_306, %select_n3A_405 : i32
      %ne3A_407 = arith.constant 0 : i32
      %ne3A_408 = arith.cmpi ne, %rem3A_406, %ne3A_407 : i32
      %lt3A_409 = arith.constant 0 : i32
      %lt3A_410 = arith.cmpi slt, %rem3A_406, %lt3A_409 : i32
      %lt3A_411 = arith.constant 0 : i32
      %lt3A_412 = arith.cmpi slt, %select_n3A_405, %lt3A_411 : i32
      %ne3A_413 = arith.xori %lt3A_410, %lt3A_412 : i1
      %and3A_414 = arith.andi %ne3A_413, %ne3A_408 : i1
      %add3A_415 = arith.addi %rem3A_406, %select_n3A_405 : i32
      %select_n3A_416 = arith.select %and3A_414, %add3A_415, %rem3A_406 : i32
      %mul3A_417 = arith.constant 128 : i32
      %mul3A_418 = arith.muli %select_n3A_400, %mul3A_417 : i32
      %mul3A_419 = arith.constant 200 : i32
      %mul3A_420 = arith.muli %mul3A_418, %mul3A_419 : i32
      %add3A_421 = arith.addi %mul3A_4, %mul3A_420 : i32
      %add3A_422 = arith.addi %add3A_421, %select_n3A_416 : i32
      %get3A_423 = arith.constant 0 : index
      %get3A_424 = tpu.vector_load %arg8[%get3A_423] {strides = array<i32>} : memref<128xi32, #tpu.memory_space<vmem>>, vector<16xi32>,
      %get3A_425 = vector.shape_cast %get3A_424 : vector<16xi32> to vector<16xi32>
      %add3A_426 = vector.broadcast %add3A_422 : i32 to vector<16xi32>
      %add3A_427 = arith.addi %get3A_425, %add3A_426 : vector<16xi32>
      %swap3A_428 = arith.constant 0 : index
      %swap3A_429 = tpu.vector_load %arg22[%swap3A_428] {strides = array<i32>} : memref<128xi32, #tpu.memory_space<vmem>>, vector<16xi32>,
      %swap3A_430 = vector.shape_cast %swap3A_429 : vector<16xi32> to vector<16xi32>
      %swap3A_431 = vector.shape_cast %add3A_427 : vector<16xi32> to vector<16xi32>
      tpu.vector_store %arg22[%swap3A_428], %swap3A_431 {strides = array<i32>} : memref<128xi32, #tpu.memory_space<vmem>>, vector<16xi32>,
      %get3A_432 = arith.constant 16 : index
      %get3A_433 = tpu.vector_load %arg8[%get3A_432] {strides = array<i32>} : memref<128xi32, #tpu.memory_space<vmem>>, vector<16xi32>,
      %get3A_434 = vector.shape_cast %get3A_433 : vector<16xi32> to vector<16xi32>
      %add3A_435 = vector.broadcast %add3A_422 : i32 to vector<16xi32>
      %add3A_436 = arith.addi %get3A_434, %add3A_435 : vector<16xi32>
      %swap3A_437 = arith.constant 16 : index
      %swap3A_438 = tpu.vector_load %arg22[%swap3A_437] {strides = array<i32>} : memref<128xi32, #tpu.memory_space<vmem>>, vector<16xi32>,
      %swap3A_439 = vector.shape_cast %swap3A_438 : vector<16xi32> to vector<16xi32>
      %swap3A_440 = vector.shape_cast %add3A_436 : vector<16xi32> to vector<16xi32>
      tpu.vector_store %arg22[%swap3A_437], %swap3A_440 {strides = array<i32>} : memref<128xi32, #tpu.memory_space<vmem>>, vector<16xi32>,
      %get3A_441 = arith.constant 32 : index
      %get3A_442 = tpu.vector_load %arg8[%get3A_441] {strides = array<i32>} : memref<128xi32, #tpu.memory_space<vmem>>, vector<16xi32>,
      %get3A_443 = vector.shape_cast %get3A_442 : vector<16xi32> to vector<16xi32>
      %add3A_444 = vector.broadcast %add3A_422 : i32 to vector<16xi32>
      %add3A_445 = arith.addi %get3A_443, %add3A_444 : vector<16xi32>
      %swap3A_446 = arith.constant 32 : index
      %swap3A_447 = tpu.vector_load %arg22[%swap3A_446] {strides = array<i32>} : memref<128xi32, #tpu.memory_space<vmem>>, vector<16xi32>,
      %swap3A_448 = vector.shape_cast %swap3A_447 : vector<16xi32> to vector<16xi32>
      %swap3A_449 = vector.shape_cast %add3A_445 : vector<16xi32> to vector<16xi32>
      tpu.vector_store %arg22[%swap3A_446], %swap3A_449 {strides = array<i32>} : memref<128xi32, #tpu.memory_space<vmem>>, vector<16xi32>,
      %get3A_450 = arith.constant 48 : index
      %get3A_451 = tpu.vector_load %arg8[%get3A_450] {strides = array<i32>} : memref<128xi32, #tpu.memory_space<vmem>>, vector<16xi32>,
      %get3A_452 = vector.shape_cast %get3A_451 : vector<16xi32> to vector<16xi32>
      %add3A_453 = vector.broadcast %add3A_422 : i32 to vector<16xi32>
      %add3A_454 = arith.addi %get3A_452, %add3A_453 : vector<16xi32>
      %swap3A_455 = arith.constant 48 : index
      %swap3A_456 = tpu.vector_load %arg22[%swap3A_455] {strides = array<i32>} : memref<128xi32, #tpu.memory_space<vmem>>, vector<16xi32>,
      %swap3A_457 = vector.shape_cast %swap3A_456 : vector<16xi32> to vector<16xi32>
      %swap3A_458 = vector.shape_cast %add3A_454 : vector<16xi32> to vector<16xi32>
      tpu.vector_store %arg22[%swap3A_455], %swap3A_458 {strides = array<i32>} : memref<128xi32, #tpu.memory_space<vmem>>, vector<16xi32>,
      %get3A_459 = arith.constant 64 : index
      %get3A_460 = tpu.vector_load %arg8[%get3A_459] {strides = array<i32>} : memref<128xi32, #tpu.memory_space<vmem>>, vector<16xi32>,
      %get3A_461 = vector.shape_cast %get3A_460 : vector<16xi32> to vector<16xi32>
      %add3A_462 = vector.broadcast %add3A_422 : i32 to vector<16xi32>
      %add3A_463 = arith.addi %get3A_461, %add3A_462 : vector<16xi32>
      %swap3A_464 = arith.constant 64 : index
      %swap3A_465 = tpu.vector_load %arg22[%swap3A_464] {strides = array<i32>} : memref<128xi32, #tpu.memory_space<vmem>>, vector<16xi32>,
      %swap3A_466 = vector.shape_cast %swap3A_465 : vector<16xi32> to vector<16xi32>
      %swap3A_467 = vector.shape_cast %add3A_463 : vector<16xi32> to vector<16xi32>
      tpu.vector_store %arg22[%swap3A_464], %swap3A_467 {strides = array<i32>} : memref<128xi32, #tpu.memory_space<vmem>>, vector<16xi32>,
      %get3A_468 = arith.constant 80 : index
      %get3A_469 = tpu.vector_load %arg8[%get3A_468] {strides = array<i32>} : memref<128xi32, #tpu.memory_space<vmem>>, vector<16xi32>,
      %get3A_470 = vector.shape_cast %get3A_469 : vector<16xi32> to vector<16xi32>
      %add3A_471 = vector.broadcast %add3A_422 : i32 to vector<16xi32>
      %add3A_472 = arith.addi %get3A_470, %add3A_471 : vector<16xi32>
      %swap3A_473 = arith.constant 80 : index
      %swap3A_474 = tpu.vector_load %arg22[%swap3A_473] {strides = array<i32>} : memref<128xi32, #tpu.memory_space<vmem>>, vector<16xi32>,
      %swap3A_475 = vector.shape_cast %swap3A_474 : vector<16xi32> to vector<16xi32>
      %swap3A_476 = vector.shape_cast %add3A_472 : vector<16xi32> to vector<16xi32>
      tpu.vector_store %arg22[%swap3A_473], %swap3A_476 {strides = array<i32>} : memref<128xi32, #tpu.memory_space<vmem>>, vector<16xi32>,
      %get3A_477 = arith.constant 96 : index
      %get3A_478 = tpu.vector_load %arg8[%get3A_477] {strides = array<i32>} : memref<128xi32, #tpu.memory_space<vmem>>, vector<16xi32>,
      %get3A_479 = vector.shape_cast %get3A_478 : vector<16xi32> to vector<16xi32>
      %add3A_480 = vector.broadcast %add3A_422 : i32 to vector<16xi32>
      %add3A_481 = arith.addi %get3A_479, %add3A_480 : vector<16xi32>
      %swap3A_482 = arith.constant 96 : index
      %swap3A_483 = tpu.vector_load %arg22[%swap3A_482] {strides = array<i32>} : memref<128xi32, #tpu.memory_space<vmem>>, vector<16xi32>,
      %swap3A_484 = vector.shape_cast %swap3A_483 : vector<16xi32> to vector<16xi32>
      %swap3A_485 = vector.shape_cast %add3A_481 : vector<16xi32> to vector<16xi32>
      tpu.vector_store %arg22[%swap3A_482], %swap3A_485 {strides = array<i32>} : memref<128xi32, #tpu.memory_space<vmem>>, vector<16xi32>,
      %get3A_486 = arith.constant 112 : index
      %get3A_487 = tpu.vector_load %arg8[%get3A_486] {strides = array<i32>} : memref<128xi32, #tpu.memory_space<vmem>>, vector<16xi32>,
      %get3A_488 = vector.shape_cast %get3A_487 : vector<16xi32> to vector<16xi32>
      %add3A_489 = vector.broadcast %add3A_422 : i32 to vector<16xi32>
      %add3A_490 = arith.addi %get3A_488, %add3A_489 : vector<16xi32>
      %swap3A_491 = arith.constant 112 : index
      %swap3A_492 = tpu.vector_load %arg22[%swap3A_491] {strides = array<i32>} : memref<128xi32, #tpu.memory_space<vmem>>, vector<16xi32>,
      %swap3A_493 = vector.shape_cast %swap3A_492 : vector<16xi32> to vector<16xi32>
      %swap3A_494 = vector.shape_cast %add3A_490 : vector<16xi32> to vector<16xi32>
      tpu.vector_store %arg22[%swap3A_491], %swap3A_494 {strides = array<i32>} : memref<128xi32, #tpu.memory_space<vmem>>, vector<16xi32>,
      %dma_start3A_495 = arith.constant 0 : i32
      %dma_start3A_496 = arith.constant 0 : i32
      %dma_start3A_497 = tpu.memref_slice %arg5[%dma_start3A_495, %dma_start3A_496] : memref<819200x128xf32, #tpu.memory_space<hbm>> -> memref<819200x128xf32, #tpu.memory_space<hbm>>
      tpu.enqueue_indirect_dma source(%arg10 : memref<128x128xf32, #tpu.memory_space<vmem>>) target(%dma_start3A_497 : memref<819200x128xf32, #tpu.memory_space<hbm>>) offsets(%arg22 : memref<128xi32, #tpu.memory_space<vmem>>) semaphore(%arg18 : memref<!tpu.dma_semaphore, #tpu.memory_space<semaphore_mem>>)
      %mul3A_498 = arith.constant 4 : i32
      %mul3A_499 = arith.muli %scan3A_122, %mul3A_498 : i32
      %add3A_500 = arith.constant 2 : i32
      %add3A_501 = arith.addi %mul3A_499, %add3A_500 : i32
      %ge3A_502 = arith.constant 2 : i32
      %ge3A_503 = arith.cmpi sge, %add3A_501, %ge3A_502 : i32
      %lt3A_504 = arith.constant 198 : i32
      %lt3A_505 = arith.cmpi slt, %add3A_501, %lt3A_504 : i32
      %and3A_506 = arith.andi %ge3A_503, %lt3A_505 : i1
      %convert_element_type3A_507 = arith.extui %and3A_506 : i1 to i32
      %cond3A_508 = arith.constant 0 : i32
      %cond3A_509 = arith.cmpi ne, %convert_element_type3A_507, %cond3A_508 : i32
      scf.if %cond3A_509 {
        %dma_wait3A_888 = arith.constant 0 : i32
        %dma_wait3A_889 = arith.constant 0 : i32
        %dma_wait3A_890 = tpu.memref_slice %arg5[%dma_wait3A_888, %dma_wait3A_889] : memref<819200x128xf32, #tpu.memory_space<hbm>> -> memref<819200x128xf32, #tpu.memory_space<hbm>>
        tpu.wait_indirect_dma semaphore(%arg17 : memref<!tpu.dma_semaphore, #tpu.memory_space<semaphore_mem>>) src(%arg9 : memref<128x128xf32, #tpu.memory_space<vmem>>) dst(%dma_wait3A_890 : memref<819200x128xf32, #tpu.memory_space<hbm>>)
      } else {
      }
      %lt3A_510 = arith.constant 198 : i32
      %lt3A_511 = arith.cmpi slt, %add3A_501, %lt3A_510 : i32
      %convert_element_type3A_512 = arith.extui %lt3A_511 : i1 to i32
      %cond3A_513 = arith.constant 0 : i32
      %cond3A_514 = arith.cmpi ne, %convert_element_type3A_512, %cond3A_513 : i32
      scf.if %cond3A_514 {
        %add3A_888 = arith.constant 2 : i32
        %add3A_889 = arith.addi %add3A_501, %add3A_888 : i32
        %dma_start3A_890 = arith.constant 0 : i32
        %dma_start3A_891 = tpu.memref_slice %arg6[%add3A_889, %dma_start3A_890] : memref<200x128xi32, #tpu.memory_space<vmem>> -> memref<1x128xi32, #tpu.memory_space<vmem>>
        %dma_start3A_892 = tpu.memref_squeeze %dma_start3A_891 : memref<1x128xi32, #tpu.memory_space<vmem>> -> memref<128xi32, #tpu.memory_space<vmem>>
        %dma_start3A_893 = arith.constant 0 : i32
        %dma_start3A_894 = arith.constant 0 : i32
        %dma_start3A_895 = tpu.memref_slice %arg3[%dma_start3A_893, %dma_start3A_894] : memref<100000x128xf32, #tpu.memory_space<hbm>> -> memref<100000x128xf32, #tpu.memory_space<hbm>>
        tpu.enqueue_indirect_dma source(%dma_start3A_895 : memref<100000x128xf32, #tpu.memory_space<hbm>>) target(%arg9 : memref<128x128xf32, #tpu.memory_space<vmem>>) offsets(%dma_start3A_892 : memref<128xi32, #tpu.memory_space<vmem>>) semaphore(%arg13 : memref<!tpu.dma_semaphore, #tpu.memory_space<semaphore_mem>>)
      } else {
      }
      %dma_wait3A_515 = arith.constant 0 : i32
      %dma_wait3A_516 = arith.constant 0 : i32
      %dma_wait3A_517 = tpu.memref_slice %arg3[%dma_wait3A_515, %dma_wait3A_516] : memref<100000x128xf32, #tpu.memory_space<hbm>> -> memref<128x128xf32, #tpu.memory_space<hbm>>
      %dma_wait3A_518 = arith.constant 0 : i32
      %dma_wait3A_519 = arith.constant 0 : i32
      %dma_wait3A_520 = tpu.memref_slice %arg3[%dma_wait3A_518, %dma_wait3A_519] : memref<100000x128xf32, #tpu.memory_space<hbm>> -> memref<128x128xf32, #tpu.memory_space<hbm>>
      tpu.wait_dma2 semaphore(%arg15 : memref<!tpu.dma_semaphore, #tpu.memory_space<semaphore_mem>>) src(%dma_wait3A_520 : memref<128x128xf32, #tpu.memory_space<hbm>>) dst(%arg11 : memref<128x128xf32, #tpu.memory_space<vmem>>)
      %jit3A_521 = arith.constant 200 : i32
      %eq3A_522 = arith.constant 0 : i32
      %eq3A_523 = arith.cmpi eq, %jit3A_521, %eq3A_522 : i32
      %jit3A_524 = arith.constant 1 : i32
      %select_n3A_525 = arith.select %eq3A_523, %jit3A_524, %jit3A_521 : i32
      %rem3A_526 = arith.remsi %add3A_501, %select_n3A_525 : i32
      %ne3A_527 = arith.constant 0 : i32
      %ne3A_528 = arith.cmpi ne, %rem3A_526, %ne3A_527 : i32
      %lt3A_529 = arith.constant 0 : i32
      %lt3A_530 = arith.cmpi slt, %rem3A_526, %lt3A_529 : i32
      %lt3A_531 = arith.constant 0 : i32
      %lt3A_532 = arith.cmpi slt, %select_n3A_525, %lt3A_531 : i32
      %ne3A_533 = arith.xori %lt3A_530, %lt3A_532 : i1
      %and3A_534 = arith.andi %ne3A_533, %ne3A_528 : i1
      %add3A_535 = arith.addi %rem3A_526, %select_n3A_525 : i32
      %select_n3A_536 = arith.select %and3A_534, %add3A_535, %rem3A_526 : i32
      %get3A_537 = arith.index_cast %select_n3A_536 : i32 to index
      %get3A_538 = arith.constant 0 : index
      %get3A_539 = tpu.vector_load %arg7[%get3A_537, %get3A_538] {strides = array<i32>} : memref<200x128xf32, #tpu.memory_space<vmem>>, vector<1x16xf32>,
      %get3A_540 = vector.shape_cast %get3A_539 : vector<1x16xf32> to vector<16xf32>
      %get3A_541 = arith.index_cast %select_n3A_536 : i32 to index
      %get3A_542 = arith.constant 16 : index
      %get3A_543 = tpu.vector_load %arg7[%get3A_541, %get3A_542] {strides = array<i32>} : memref<200x128xf32, #tpu.memory_space<vmem>>, vector<1x16xf32>,
      %get3A_544 = vector.shape_cast %get3A_543 : vector<1x16xf32> to vector<16xf32>
      %get3A_545 = arith.index_cast %select_n3A_536 : i32 to index
      %get3A_546 = arith.constant 32 : index
      %get3A_547 = tpu.vector_load %arg7[%get3A_545, %get3A_546] {strides = array<i32>} : memref<200x128xf32, #tpu.memory_space<vmem>>, vector<1x16xf32>,
      %get3A_548 = vector.shape_cast %get3A_547 : vector<1x16xf32> to vector<16xf32>
      %get3A_549 = arith.index_cast %select_n3A_536 : i32 to index
      %get3A_550 = arith.constant 48 : index
      %get3A_551 = tpu.vector_load %arg7[%get3A_549, %get3A_550] {strides = array<i32>} : memref<200x128xf32, #tpu.memory_space<vmem>>, vector<1x16xf32>,
      %get3A_552 = vector.shape_cast %get3A_551 : vector<1x16xf32> to vector<16xf32>
      %get3A_553 = arith.index_cast %select_n3A_536 : i32 to index
      %get3A_554 = arith.constant 64 : index
      %get3A_555 = tpu.vector_load %arg7[%get3A_553, %get3A_554] {strides = array<i32>} : memref<200x128xf32, #tpu.memory_space<vmem>>, vector<1x16xf32>,
      %get3A_556 = vector.shape_cast %get3A_555 : vector<1x16xf32> to vector<16xf32>
      %get3A_557 = arith.index_cast %select_n3A_536 : i32 to index
      %get3A_558 = arith.constant 80 : index
      %get3A_559 = tpu.vector_load %arg7[%get3A_557, %get3A_558] {strides = array<i32>} : memref<200x128xf32, #tpu.memory_space<vmem>>, vector<1x16xf32>,
      %get3A_560 = vector.shape_cast %get3A_559 : vector<1x16xf32> to vector<16xf32>
      %get3A_561 = arith.index_cast %select_n3A_536 : i32 to index
      %get3A_562 = arith.constant 96 : index
      %get3A_563 = tpu.vector_load %arg7[%get3A_561, %get3A_562] {strides = array<i32>} : memref<200x128xf32, #tpu.memory_space<vmem>>, vector<1x16xf32>,
      %get3A_564 = vector.shape_cast %get3A_563 : vector<1x16xf32> to vector<16xf32>
      %get3A_565 = arith.index_cast %select_n3A_536 : i32 to index
      %get3A_566 = arith.constant 112 : index
      %get3A_567 = tpu.vector_load %arg7[%get3A_565, %get3A_566] {strides = array<i32>} : memref<200x128xf32, #tpu.memory_space<vmem>>, vector<1x16xf32>,
      %get3A_568 = vector.shape_cast %get3A_567 : vector<1x16xf32> to vector<16xf32>
      %parallel_loop3A_569 = arith.constant 0 : i32
      %parallel_loop3A_570 = arith.constant 128 : i32
      %parallel_loop3A_571 = arith.constant 1 : i32
      scf.for %parallel_loop3A_888 = %parallel_loop3A_569 to %parallel_loop3A_570 step %parallel_loop3A_571  : i32 {
        %parallel_loop3A_889 = arith.index_cast %parallel_loop3A_888 : i32 to index
        %parallel_loop3A_890 = arith.constant 0 : index
        %parallel_loop3A_891 = tpu.vector_load %arg11[%parallel_loop3A_889, %parallel_loop3A_890] {strides = array<i32>} : memref<128x128xf32, #tpu.memory_space<vmem>>, vector<1x16xf32>,
        %parallel_loop3A_892 = vector.shape_cast %parallel_loop3A_891 : vector<1x16xf32> to vector<16xf32>
        %parallel_loop3A_893 = vector.shape_cast %get3A_540 : vector<16xf32> to vector<1x16xf32>
        tpu.vector_store %arg11[%parallel_loop3A_889, %parallel_loop3A_890], %parallel_loop3A_893 {add = true, strides = array<i32>} : memref<128x128xf32, #tpu.memory_space<vmem>>, vector<1x16xf32>,
        %parallel_loop3A_894 = arith.index_cast %parallel_loop3A_888 : i32 to index
        %parallel_loop3A_895 = arith.constant 16 : index
        %parallel_loop3A_896 = tpu.vector_load %arg11[%parallel_loop3A_894, %parallel_loop3A_895] {strides = array<i32>} : memref<128x128xf32, #tpu.memory_space<vmem>>, vector<1x16xf32>,
        %parallel_loop3A_897 = vector.shape_cast %parallel_loop3A_896 : vector<1x16xf32> to vector<16xf32>
        %parallel_loop3A_898 = vector.shape_cast %get3A_544 : vector<16xf32> to vector<1x16xf32>
        tpu.vector_store %arg11[%parallel_loop3A_894, %parallel_loop3A_895], %parallel_loop3A_898 {add = true, strides = array<i32>} : memref<128x128xf32, #tpu.memory_space<vmem>>, vector<1x16xf32>,
        %parallel_loop3A_899 = arith.index_cast %parallel_loop3A_888 : i32 to index
        %parallel_loop3A_900 = arith.constant 32 : index
        %parallel_loop3A_901 = tpu.vector_load %arg11[%parallel_loop3A_899, %parallel_loop3A_900] {strides = array<i32>} : memref<128x128xf32, #tpu.memory_space<vmem>>, vector<1x16xf32>,
        %parallel_loop3A_902 = vector.shape_cast %parallel_loop3A_901 : vector<1x16xf32> to vector<16xf32>
        %parallel_loop3A_903 = vector.shape_cast %get3A_548 : vector<16xf32> to vector<1x16xf32>
        tpu.vector_store %arg11[%parallel_loop3A_899, %parallel_loop3A_900], %parallel_loop3A_903 {add = true, strides = array<i32>} : memref<128x128xf32, #tpu.memory_space<vmem>>, vector<1x16xf32>,
        %parallel_loop3A_904 = arith.index_cast %parallel_loop3A_888 : i32 to index
        %parallel_loop3A_905 = arith.constant 48 : index
        %parallel_loop3A_906 = tpu.vector_load %arg11[%parallel_loop3A_904, %parallel_loop3A_905] {strides = array<i32>} : memref<128x128xf32, #tpu.memory_space<vmem>>, vector<1x16xf32>,
        %parallel_loop3A_907 = vector.shape_cast %parallel_loop3A_906 : vector<1x16xf32> to vector<16xf32>
        %parallel_loop3A_908 = vector.shape_cast %get3A_552 : vector<16xf32> to vector<1x16xf32>
        tpu.vector_store %arg11[%parallel_loop3A_904, %parallel_loop3A_905], %parallel_loop3A_908 {add = true, strides = array<i32>} : memref<128x128xf32, #tpu.memory_space<vmem>>, vector<1x16xf32>,
        %parallel_loop3A_909 = arith.index_cast %parallel_loop3A_888 : i32 to index
        %parallel_loop3A_910 = arith.constant 64 : index
        %parallel_loop3A_911 = tpu.vector_load %arg11[%parallel_loop3A_909, %parallel_loop3A_910] {strides = array<i32>} : memref<128x128xf32, #tpu.memory_space<vmem>>, vector<1x16xf32>,
        %parallel_loop3A_912 = vector.shape_cast %parallel_loop3A_911 : vector<1x16xf32> to vector<16xf32>
        %parallel_loop3A_913 = vector.shape_cast %get3A_556 : vector<16xf32> to vector<1x16xf32>
        tpu.vector_store %arg11[%parallel_loop3A_909, %parallel_loop3A_910], %parallel_loop3A_913 {add = true, strides = array<i32>} : memref<128x128xf32, #tpu.memory_space<vmem>>, vector<1x16xf32>,
        %parallel_loop3A_914 = arith.index_cast %parallel_loop3A_888 : i32 to index
        %parallel_loop3A_915 = arith.constant 80 : index
        %parallel_loop3A_916 = tpu.vector_load %arg11[%parallel_loop3A_914, %parallel_loop3A_915] {strides = array<i32>} : memref<128x128xf32, #tpu.memory_space<vmem>>, vector<1x16xf32>,
        %parallel_loop3A_917 = vector.shape_cast %parallel_loop3A_916 : vector<1x16xf32> to vector<16xf32>
        %parallel_loop3A_918 = vector.shape_cast %get3A_560 : vector<16xf32> to vector<1x16xf32>
        tpu.vector_store %arg11[%parallel_loop3A_914, %parallel_loop3A_915], %parallel_loop3A_918 {add = true, strides = array<i32>} : memref<128x128xf32, #tpu.memory_space<vmem>>, vector<1x16xf32>,
        %parallel_loop3A_919 = arith.index_cast %parallel_loop3A_888 : i32 to index
        %parallel_loop3A_920 = arith.constant 96 : index
        %parallel_loop3A_921 = tpu.vector_load %arg11[%parallel_loop3A_919, %parallel_loop3A_920] {strides = array<i32>} : memref<128x128xf32, #tpu.memory_space<vmem>>, vector<1x16xf32>,
        %parallel_loop3A_922 = vector.shape_cast %parallel_loop3A_921 : vector<1x16xf32> to vector<16xf32>
        %parallel_loop3A_923 = vector.shape_cast %get3A_564 : vector<16xf32> to vector<1x16xf32>
        tpu.vector_store %arg11[%parallel_loop3A_919, %parallel_loop3A_920], %parallel_loop3A_923 {add = true, strides = array<i32>} : memref<128x128xf32, #tpu.memory_space<vmem>>, vector<1x16xf32>,
        %parallel_loop3A_924 = arith.index_cast %parallel_loop3A_888 : i32 to index
        %parallel_loop3A_925 = arith.constant 112 : index
        %parallel_loop3A_926 = tpu.vector_load %arg11[%parallel_loop3A_924, %parallel_loop3A_925] {strides = array<i32>} : memref<128x128xf32, #tpu.memory_space<vmem>>, vector<1x16xf32>,
        %parallel_loop3A_927 = vector.shape_cast %parallel_loop3A_926 : vector<1x16xf32> to vector<16xf32>
        %parallel_loop3A_928 = vector.shape_cast %get3A_568 : vector<16xf32> to vector<1x16xf32>
        tpu.vector_store %arg11[%parallel_loop3A_924, %parallel_loop3A_925], %parallel_loop3A_928 {add = true, strides = array<i32>} : memref<128x128xf32, #tpu.memory_space<vmem>>, vector<1x16xf32>,
      } {sc.loop_unroll_factor = 2 : i64, sc.parallel_access}
      %jit3A_572 = arith.constant 200 : i32
      %div3A_573 = arith.divsi %add3A_501, %jit3A_572 : i32
      %sign3A_574 = arith.constant 0 : i32
      %sign3A_575 = arith.cmpi sgt, %add3A_501, %sign3A_574 : i32
      %sign3A_576 = arith.extui %sign3A_575 : i1 to i32
      %sign3A_577 = arith.constant 0 : i32
      %sign3A_578 = arith.cmpi slt, %add3A_501, %sign3A_577 : i32
      %sign3A_579 = arith.extui %sign3A_578 : i1 to i32
      %sign3A_580 = arith.subi %sign3A_576, %sign3A_579 : i32
      %sign3A_581 = arith.constant 0 : i32
      %sign3A_582 = arith.cmpi sgt, %jit3A_572, %sign3A_581 : i32
      %sign3A_583 = arith.extui %sign3A_582 : i1 to i32
      %sign3A_584 = arith.constant 0 : i32
      %sign3A_585 = arith.cmpi slt, %jit3A_572, %sign3A_584 : i32
      %sign3A_586 = arith.extui %sign3A_585 : i1 to i32
      %sign3A_587 = arith.subi %sign3A_583, %sign3A_586 : i32
      %ne3A_588 = arith.cmpi ne, %sign3A_580, %sign3A_587 : i32
      %rem3A_589 = arith.remsi %add3A_501, %jit3A_572 : i32
      %ne3A_590 = arith.constant 0 : i32
      %ne3A_591 = arith.cmpi ne, %rem3A_589, %ne3A_590 : i32
      %and3A_592 = arith.andi %ne3A_588, %ne3A_591 : i1
      %sub3A_593 = arith.constant 1 : i32
      %sub3A_594 = arith.subi %div3A_573, %sub3A_593 : i32
      %select_n3A_595 = arith.select %and3A_592, %sub3A_594, %div3A_573 : i32
      %jit3A_596 = arith.constant 200 : i32
      %eq3A_597 = arith.constant 0 : i32
      %eq3A_598 = arith.cmpi eq, %jit3A_596, %eq3A_597 : i32
      %jit3A_599 = arith.constant 1 : i32
      %select_n3A_600 = arith.select %eq3A_598, %jit3A_599, %jit3A_596 : i32
      %rem3A_601 = arith.remsi %add3A_501, %select_n3A_600 : i32
      %ne3A_602 = arith.constant 0 : i32
      %ne3A_603 = arith.cmpi ne, %rem3A_601, %ne3A_602 : i32
      %lt3A_604 = arith.constant 0 : i32
      %lt3A_605 = arith.cmpi slt, %rem3A_601, %lt3A_604 : i32
      %lt3A_606 = arith.constant 0 : i32
      %lt3A_607 = arith.cmpi slt, %select_n3A_600, %lt3A_606 : i32
      %ne3A_608 = arith.xori %lt3A_605, %lt3A_607 : i1
      %and3A_609 = arith.andi %ne3A_608, %ne3A_603 : i1
      %add3A_610 = arith.addi %rem3A_601, %select_n3A_600 : i32
      %select_n3A_611 = arith.select %and3A_609, %add3A_610, %rem3A_601 : i32
      %mul3A_612 = arith.constant 128 : i32
      %mul3A_613 = arith.muli %select_n3A_595, %mul3A_612 : i32
      %mul3A_614 = arith.constant 200 : i32
      %mul3A_615 = arith.muli %mul3A_613, %mul3A_614 : i32
      %add3A_616 = arith.addi %mul3A_4, %mul3A_615 : i32
      %add3A_617 = arith.addi %add3A_616, %select_n3A_611 : i32
      %get3A_618 = arith.constant 0 : index
      %get3A_619 = tpu.vector_load %arg8[%get3A_618] {strides = array<i32>} : memref<128xi32, #tpu.memory_space<vmem>>, vector<16xi32>,
      %get3A_620 = vector.shape_cast %get3A_619 : vector<16xi32> to vector<16xi32>
      %add3A_621 = vector.broadcast %add3A_617 : i32 to vector<16xi32>
      %add3A_622 = arith.addi %get3A_620, %add3A_621 : vector<16xi32>
      %swap3A_623 = arith.constant 0 : index
      %swap3A_624 = tpu.vector_load %arg23[%swap3A_623] {strides = array<i32>} : memref<128xi32, #tpu.memory_space<vmem>>, vector<16xi32>,
      %swap3A_625 = vector.shape_cast %swap3A_624 : vector<16xi32> to vector<16xi32>
      %swap3A_626 = vector.shape_cast %add3A_622 : vector<16xi32> to vector<16xi32>
      tpu.vector_store %arg23[%swap3A_623], %swap3A_626 {strides = array<i32>} : memref<128xi32, #tpu.memory_space<vmem>>, vector<16xi32>,
      %get3A_627 = arith.constant 16 : index
      %get3A_628 = tpu.vector_load %arg8[%get3A_627] {strides = array<i32>} : memref<128xi32, #tpu.memory_space<vmem>>, vector<16xi32>,
      %get3A_629 = vector.shape_cast %get3A_628 : vector<16xi32> to vector<16xi32>
      %add3A_630 = vector.broadcast %add3A_617 : i32 to vector<16xi32>
      %add3A_631 = arith.addi %get3A_629, %add3A_630 : vector<16xi32>
      %swap3A_632 = arith.constant 16 : index
      %swap3A_633 = tpu.vector_load %arg23[%swap3A_632] {strides = array<i32>} : memref<128xi32, #tpu.memory_space<vmem>>, vector<16xi32>,
      %swap3A_634 = vector.shape_cast %swap3A_633 : vector<16xi32> to vector<16xi32>
      %swap3A_635 = vector.shape_cast %add3A_631 : vector<16xi32> to vector<16xi32>
      tpu.vector_store %arg23[%swap3A_632], %swap3A_635 {strides = array<i32>} : memref<128xi32, #tpu.memory_space<vmem>>, vector<16xi32>,
      %get3A_636 = arith.constant 32 : index
      %get3A_637 = tpu.vector_load %arg8[%get3A_636] {strides = array<i32>} : memref<128xi32, #tpu.memory_space<vmem>>, vector<16xi32>,
      %get3A_638 = vector.shape_cast %get3A_637 : vector<16xi32> to vector<16xi32>
      %add3A_639 = vector.broadcast %add3A_617 : i32 to vector<16xi32>
      %add3A_640 = arith.addi %get3A_638, %add3A_639 : vector<16xi32>
      %swap3A_641 = arith.constant 32 : index
      %swap3A_642 = tpu.vector_load %arg23[%swap3A_641] {strides = array<i32>} : memref<128xi32, #tpu.memory_space<vmem>>, vector<16xi32>,
      %swap3A_643 = vector.shape_cast %swap3A_642 : vector<16xi32> to vector<16xi32>
      %swap3A_644 = vector.shape_cast %add3A_640 : vector<16xi32> to vector<16xi32>
      tpu.vector_store %arg23[%swap3A_641], %swap3A_644 {strides = array<i32>} : memref<128xi32, #tpu.memory_space<vmem>>, vector<16xi32>,
      %get3A_645 = arith.constant 48 : index
      %get3A_646 = tpu.vector_load %arg8[%get3A_645] {strides = array<i32>} : memref<128xi32, #tpu.memory_space<vmem>>, vector<16xi32>,
      %get3A_647 = vector.shape_cast %get3A_646 : vector<16xi32> to vector<16xi32>
      %add3A_648 = vector.broadcast %add3A_617 : i32 to vector<16xi32>
      %add3A_649 = arith.addi %get3A_647, %add3A_648 : vector<16xi32>
      %swap3A_650 = arith.constant 48 : index
      %swap3A_651 = tpu.vector_load %arg23[%swap3A_650] {strides = array<i32>} : memref<128xi32, #tpu.memory_space<vmem>>, vector<16xi32>,
      %swap3A_652 = vector.shape_cast %swap3A_651 : vector<16xi32> to vector<16xi32>
      %swap3A_653 = vector.shape_cast %add3A_649 : vector<16xi32> to vector<16xi32>
      tpu.vector_store %arg23[%swap3A_650], %swap3A_653 {strides = array<i32>} : memref<128xi32, #tpu.memory_space<vmem>>, vector<16xi32>,
      %get3A_654 = arith.constant 64 : index
      %get3A_655 = tpu.vector_load %arg8[%get3A_654] {strides = array<i32>} : memref<128xi32, #tpu.memory_space<vmem>>, vector<16xi32>,
      %get3A_656 = vector.shape_cast %get3A_655 : vector<16xi32> to vector<16xi32>
      %add3A_657 = vector.broadcast %add3A_617 : i32 to vector<16xi32>
      %add3A_658 = arith.addi %get3A_656, %add3A_657 : vector<16xi32>
      %swap3A_659 = arith.constant 64 : index
      %swap3A_660 = tpu.vector_load %arg23[%swap3A_659] {strides = array<i32>} : memref<128xi32, #tpu.memory_space<vmem>>, vector<16xi32>,
      %swap3A_661 = vector.shape_cast %swap3A_660 : vector<16xi32> to vector<16xi32>
      %swap3A_662 = vector.shape_cast %add3A_658 : vector<16xi32> to vector<16xi32>
      tpu.vector_store %arg23[%swap3A_659], %swap3A_662 {strides = array<i32>} : memref<128xi32, #tpu.memory_space<vmem>>, vector<16xi32>,
      %get3A_663 = arith.constant 80 : index
      %get3A_664 = tpu.vector_load %arg8[%get3A_663] {strides = array<i32>} : memref<128xi32, #tpu.memory_space<vmem>>, vector<16xi32>,
      %get3A_665 = vector.shape_cast %get3A_664 : vector<16xi32> to vector<16xi32>
      %add3A_666 = vector.broadcast %add3A_617 : i32 to vector<16xi32>
      %add3A_667 = arith.addi %get3A_665, %add3A_666 : vector<16xi32>
      %swap3A_668 = arith.constant 80 : index
      %swap3A_669 = tpu.vector_load %arg23[%swap3A_668] {strides = array<i32>} : memref<128xi32, #tpu.memory_space<vmem>>, vector<16xi32>,
      %swap3A_670 = vector.shape_cast %swap3A_669 : vector<16xi32> to vector<16xi32>
      %swap3A_671 = vector.shape_cast %add3A_667 : vector<16xi32> to vector<16xi32>
      tpu.vector_store %arg23[%swap3A_668], %swap3A_671 {strides = array<i32>} : memref<128xi32, #tpu.memory_space<vmem>>, vector<16xi32>,
      %get3A_672 = arith.constant 96 : index
      %get3A_673 = tpu.vector_load %arg8[%get3A_672] {strides = array<i32>} : memref<128xi32, #tpu.memory_space<vmem>>, vector<16xi32>,
      %get3A_674 = vector.shape_cast %get3A_673 : vector<16xi32> to vector<16xi32>
      %add3A_675 = vector.broadcast %add3A_617 : i32 to vector<16xi32>
      %add3A_676 = arith.addi %get3A_674, %add3A_675 : vector<16xi32>
      %swap3A_677 = arith.constant 96 : index
      %swap3A_678 = tpu.vector_load %arg23[%swap3A_677] {strides = array<i32>} : memref<128xi32, #tpu.memory_space<vmem>>, vector<16xi32>,
      %swap3A_679 = vector.shape_cast %swap3A_678 : vector<16xi32> to vector<16xi32>
      %swap3A_680 = vector.shape_cast %add3A_676 : vector<16xi32> to vector<16xi32>
      tpu.vector_store %arg23[%swap3A_677], %swap3A_680 {strides = array<i32>} : memref<128xi32, #tpu.memory_space<vmem>>, vector<16xi32>,
      %get3A_681 = arith.constant 112 : index
      %get3A_682 = tpu.vector_load %arg8[%get3A_681] {strides = array<i32>} : memref<128xi32, #tpu.memory_space<vmem>>, vector<16xi32>,
      %get3A_683 = vector.shape_cast %get3A_682 : vector<16xi32> to vector<16xi32>
      %add3A_684 = vector.broadcast %add3A_617 : i32 to vector<16xi32>
      %add3A_685 = arith.addi %get3A_683, %add3A_684 : vector<16xi32>
      %swap3A_686 = arith.constant 112 : index
      %swap3A_687 = tpu.vector_load %arg23[%swap3A_686] {strides = array<i32>} : memref<128xi32, #tpu.memory_space<vmem>>, vector<16xi32>,
      %swap3A_688 = vector.shape_cast %swap3A_687 : vector<16xi32> to vector<16xi32>
      %swap3A_689 = vector.shape_cast %add3A_685 : vector<16xi32> to vector<16xi32>
      tpu.vector_store %arg23[%swap3A_686], %swap3A_689 {strides = array<i32>} : memref<128xi32, #tpu.memory_space<vmem>>, vector<16xi32>,
      %dma_start3A_690 = arith.constant 0 : i32
      %dma_start3A_691 = arith.constant 0 : i32
      %dma_start3A_692 = tpu.memref_slice %arg5[%dma_start3A_690, %dma_start3A_691] : memref<819200x128xf32, #tpu.memory_space<hbm>> -> memref<819200x128xf32, #tpu.memory_space<hbm>>
      tpu.enqueue_indirect_dma source(%arg11 : memref<128x128xf32, #tpu.memory_space<vmem>>) target(%dma_start3A_692 : memref<819200x128xf32, #tpu.memory_space<hbm>>) offsets(%arg23 : memref<128xi32, #tpu.memory_space<vmem>>) semaphore(%arg19 : memref<!tpu.dma_semaphore, #tpu.memory_space<semaphore_mem>>)
      %mul3A_693 = arith.constant 4 : i32
      %mul3A_694 = arith.muli %scan3A_122, %mul3A_693 : i32
      %add3A_695 = arith.constant 3 : i32
      %add3A_696 = arith.addi %mul3A_694, %add3A_695 : i32
      %ge3A_697 = arith.constant 2 : i32
      %ge3A_698 = arith.cmpi sge, %add3A_696, %ge3A_697 : i32
      %lt3A_699 = arith.constant 198 : i32
      %lt3A_700 = arith.cmpi slt, %add3A_696, %lt3A_699 : i32
      %and3A_701 = arith.andi %ge3A_698, %lt3A_700 : i1
      %convert_element_type3A_702 = arith.extui %and3A_701 : i1 to i32
      %cond3A_703 = arith.constant 0 : i32
      %cond3A_704 = arith.cmpi ne, %convert_element_type3A_702, %cond3A_703 : i32
      scf.if %cond3A_704 {
        %dma_wait3A_888 = arith.constant 0 : i32
        %dma_wait3A_889 = arith.constant 0 : i32
        %dma_wait3A_890 = tpu.memref_slice %arg5[%dma_wait3A_888, %dma_wait3A_889] : memref<819200x128xf32, #tpu.memory_space<hbm>> -> memref<819200x128xf32, #tpu.memory_space<hbm>>
        tpu.wait_indirect_dma semaphore(%arg18 : memref<!tpu.dma_semaphore, #tpu.memory_space<semaphore_mem>>) src(%arg10 : memref<128x128xf32, #tpu.memory_space<vmem>>) dst(%dma_wait3A_890 : memref<819200x128xf32, #tpu.memory_space<hbm>>)
      } else {
      }
      %lt3A_705 = arith.constant 198 : i32
      %lt3A_706 = arith.cmpi slt, %add3A_696, %lt3A_705 : i32
      %convert_element_type3A_707 = arith.extui %lt3A_706 : i1 to i32
      %cond3A_708 = arith.constant 0 : i32
      %cond3A_709 = arith.cmpi ne, %convert_element_type3A_707, %cond3A_708 : i32
      scf.if %cond3A_709 {
        %add3A_888 = arith.constant 2 : i32
        %add3A_889 = arith.addi %add3A_696, %add3A_888 : i32
        %dma_start3A_890 = arith.constant 0 : i32
        %dma_start3A_891 = tpu.memref_slice %arg6[%add3A_889, %dma_start3A_890] : memref<200x128xi32, #tpu.memory_space<vmem>> -> memref<1x128xi32, #tpu.memory_space<vmem>>
        %dma_start3A_892 = tpu.memref_squeeze %dma_start3A_891 : memref<1x128xi32, #tpu.memory_space<vmem>> -> memref<128xi32, #tpu.memory_space<vmem>>
        %dma_start3A_893 = arith.constant 0 : i32
        %dma_start3A_894 = arith.constant 0 : i32
        %dma_start3A_895 = tpu.memref_slice %arg3[%dma_start3A_893, %dma_start3A_894] : memref<100000x128xf32, #tpu.memory_space<hbm>> -> memref<100000x128xf32, #tpu.memory_space<hbm>>
        tpu.enqueue_indirect_dma source(%dma_start3A_895 : memref<100000x128xf32, #tpu.memory_space<hbm>>) target(%arg10 : memref<128x128xf32, #tpu.memory_space<vmem>>) offsets(%dma_start3A_892 : memref<128xi32, #tpu.memory_space<vmem>>) semaphore(%arg14 : memref<!tpu.dma_semaphore, #tpu.memory_space<semaphore_mem>>)
      } else {
      }
      %dma_wait3A_710 = arith.constant 0 : i32
      %dma_wait3A_711 = arith.constant 0 : i32
      %dma_wait3A_712 = tpu.memref_slice %arg3[%dma_wait3A_710, %dma_wait3A_711] : memref<100000x128xf32, #tpu.memory_space<hbm>> -> memref<128x128xf32, #tpu.memory_space<hbm>>
      %dma_wait3A_713 = arith.constant 0 : i32
      %dma_wait3A_714 = arith.constant 0 : i32
      %dma_wait3A_715 = tpu.memref_slice %arg3[%dma_wait3A_713, %dma_wait3A_714] : memref<100000x128xf32, #tpu.memory_space<hbm>> -> memref<128x128xf32, #tpu.memory_space<hbm>>
      tpu.wait_dma2 semaphore(%arg16 : memref<!tpu.dma_semaphore, #tpu.memory_space<semaphore_mem>>) src(%dma_wait3A_715 : memref<128x128xf32, #tpu.memory_space<hbm>>) dst(%arg12 : memref<128x128xf32, #tpu.memory_space<vmem>>)
      %jit3A_716 = arith.constant 200 : i32
      %eq3A_717 = arith.constant 0 : i32
      %eq3A_718 = arith.cmpi eq, %jit3A_716, %eq3A_717 : i32
      %jit3A_719 = arith.constant 1 : i32
      %select_n3A_720 = arith.select %eq3A_718, %jit3A_719, %jit3A_716 : i32
      %rem3A_721 = arith.remsi %add3A_696, %select_n3A_720 : i32
      %ne3A_722 = arith.constant 0 : i32
      %ne3A_723 = arith.cmpi ne, %rem3A_721, %ne3A_722 : i32
      %lt3A_724 = arith.constant 0 : i32
      %lt3A_725 = arith.cmpi slt, %rem3A_721, %lt3A_724 : i32
      %lt3A_726 = arith.constant 0 : i32
      %lt3A_727 = arith.cmpi slt, %select_n3A_720, %lt3A_726 : i32
      %ne3A_728 = arith.xori %lt3A_725, %lt3A_727 : i1
      %and3A_729 = arith.andi %ne3A_728, %ne3A_723 : i1
      %add3A_730 = arith.addi %rem3A_721, %select_n3A_720 : i32
      %select_n3A_731 = arith.select %and3A_729, %add3A_730, %rem3A_721 : i32
      %get3A_732 = arith.index_cast %select_n3A_731 : i32 to index
      %get3A_733 = arith.constant 0 : index
      %get3A_734 = tpu.vector_load %arg7[%get3A_732, %get3A_733] {strides = array<i32>} : memref<200x128xf32, #tpu.memory_space<vmem>>, vector<1x16xf32>,
      %get3A_735 = vector.shape_cast %get3A_734 : vector<1x16xf32> to vector<16xf32>
      %get3A_736 = arith.index_cast %select_n3A_731 : i32 to index
      %get3A_737 = arith.constant 16 : index
      %get3A_738 = tpu.vector_load %arg7[%get3A_736, %get3A_737] {strides = array<i32>} : memref<200x128xf32, #tpu.memory_space<vmem>>, vector<1x16xf32>,
      %get3A_739 = vector.shape_cast %get3A_738 : vector<1x16xf32> to vector<16xf32>
      %get3A_740 = arith.index_cast %select_n3A_731 : i32 to index
      %get3A_741 = arith.constant 32 : index
      %get3A_742 = tpu.vector_load %arg7[%get3A_740, %get3A_741] {strides = array<i32>} : memref<200x128xf32, #tpu.memory_space<vmem>>, vector<1x16xf32>,
      %get3A_743 = vector.shape_cast %get3A_742 : vector<1x16xf32> to vector<16xf32>
      %get3A_744 = arith.index_cast %select_n3A_731 : i32 to index
      %get3A_745 = arith.constant 48 : index
      %get3A_746 = tpu.vector_load %arg7[%get3A_744, %get3A_745] {strides = array<i32>} : memref<200x128xf32, #tpu.memory_space<vmem>>, vector<1x16xf32>,
      %get3A_747 = vector.shape_cast %get3A_746 : vector<1x16xf32> to vector<16xf32>
      %get3A_748 = arith.index_cast %select_n3A_731 : i32 to index
      %get3A_749 = arith.constant 64 : index
      %get3A_750 = tpu.vector_load %arg7[%get3A_748, %get3A_749] {strides = array<i32>} : memref<200x128xf32, #tpu.memory_space<vmem>>, vector<1x16xf32>,
      %get3A_751 = vector.shape_cast %get3A_750 : vector<1x16xf32> to vector<16xf32>
      %get3A_752 = arith.index_cast %select_n3A_731 : i32 to index
      %get3A_753 = arith.constant 80 : index
      %get3A_754 = tpu.vector_load %arg7[%get3A_752, %get3A_753] {strides = array<i32>} : memref<200x128xf32, #tpu.memory_space<vmem>>, vector<1x16xf32>,
      %get3A_755 = vector.shape_cast %get3A_754 : vector<1x16xf32> to vector<16xf32>
      %get3A_756 = arith.index_cast %select_n3A_731 : i32 to index
      %get3A_757 = arith.constant 96 : index
      %get3A_758 = tpu.vector_load %arg7[%get3A_756, %get3A_757] {strides = array<i32>} : memref<200x128xf32, #tpu.memory_space<vmem>>, vector<1x16xf32>,
      %get3A_759 = vector.shape_cast %get3A_758 : vector<1x16xf32> to vector<16xf32>
      %get3A_760 = arith.index_cast %select_n3A_731 : i32 to index
      %get3A_761 = arith.constant 112 : index
      %get3A_762 = tpu.vector_load %arg7[%get3A_760, %get3A_761] {strides = array<i32>} : memref<200x128xf32, #tpu.memory_space<vmem>>, vector<1x16xf32>,
      %get3A_763 = vector.shape_cast %get3A_762 : vector<1x16xf32> to vector<16xf32>
      %parallel_loop3A_764 = arith.constant 0 : i32
      %parallel_loop3A_765 = arith.constant 128 : i32
      %parallel_loop3A_766 = arith.constant 1 : i32
      scf.for %parallel_loop3A_888 = %parallel_loop3A_764 to %parallel_loop3A_765 step %parallel_loop3A_766  : i32 {
        %parallel_loop3A_889 = arith.index_cast %parallel_loop3A_888 : i32 to index
        %parallel_loop3A_890 = arith.constant 0 : index
        %parallel_loop3A_891 = tpu.vector_load %arg12[%parallel_loop3A_889, %parallel_loop3A_890] {strides = array<i32>} : memref<128x128xf32, #tpu.memory_space<vmem>>, vector<1x16xf32>,
        %parallel_loop3A_892 = vector.shape_cast %parallel_loop3A_891 : vector<1x16xf32> to vector<16xf32>
        %parallel_loop3A_893 = vector.shape_cast %get3A_735 : vector<16xf32> to vector<1x16xf32>
        tpu.vector_store %arg12[%parallel_loop3A_889, %parallel_loop3A_890], %parallel_loop3A_893 {add = true, strides = array<i32>} : memref<128x128xf32, #tpu.memory_space<vmem>>, vector<1x16xf32>,
        %parallel_loop3A_894 = arith.index_cast %parallel_loop3A_888 : i32 to index
        %parallel_loop3A_895 = arith.constant 16 : index
        %parallel_loop3A_896 = tpu.vector_load %arg12[%parallel_loop3A_894, %parallel_loop3A_895] {strides = array<i32>} : memref<128x128xf32, #tpu.memory_space<vmem>>, vector<1x16xf32>,
        %parallel_loop3A_897 = vector.shape_cast %parallel_loop3A_896 : vector<1x16xf32> to vector<16xf32>
        %parallel_loop3A_898 = vector.shape_cast %get3A_739 : vector<16xf32> to vector<1x16xf32>
        tpu.vector_store %arg12[%parallel_loop3A_894, %parallel_loop3A_895], %parallel_loop3A_898 {add = true, strides = array<i32>} : memref<128x128xf32, #tpu.memory_space<vmem>>, vector<1x16xf32>,
        %parallel_loop3A_899 = arith.index_cast %parallel_loop3A_888 : i32 to index
        %parallel_loop3A_900 = arith.constant 32 : index
        %parallel_loop3A_901 = tpu.vector_load %arg12[%parallel_loop3A_899, %parallel_loop3A_900] {strides = array<i32>} : memref<128x128xf32, #tpu.memory_space<vmem>>, vector<1x16xf32>,
        %parallel_loop3A_902 = vector.shape_cast %parallel_loop3A_901 : vector<1x16xf32> to vector<16xf32>
        %parallel_loop3A_903 = vector.shape_cast %get3A_743 : vector<16xf32> to vector<1x16xf32>
        tpu.vector_store %arg12[%parallel_loop3A_899, %parallel_loop3A_900], %parallel_loop3A_903 {add = true, strides = array<i32>} : memref<128x128xf32, #tpu.memory_space<vmem>>, vector<1x16xf32>,
        %parallel_loop3A_904 = arith.index_cast %parallel_loop3A_888 : i32 to index
        %parallel_loop3A_905 = arith.constant 48 : index
        %parallel_loop3A_906 = tpu.vector_load %arg12[%parallel_loop3A_904, %parallel_loop3A_905] {strides = array<i32>} : memref<128x128xf32, #tpu.memory_space<vmem>>, vector<1x16xf32>,
        %parallel_loop3A_907 = vector.shape_cast %parallel_loop3A_906 : vector<1x16xf32> to vector<16xf32>
        %parallel_loop3A_908 = vector.shape_cast %get3A_747 : vector<16xf32> to vector<1x16xf32>
        tpu.vector_store %arg12[%parallel_loop3A_904, %parallel_loop3A_905], %parallel_loop3A_908 {add = true, strides = array<i32>} : memref<128x128xf32, #tpu.memory_space<vmem>>, vector<1x16xf32>,
        %parallel_loop3A_909 = arith.index_cast %parallel_loop3A_888 : i32 to index
        %parallel_loop3A_910 = arith.constant 64 : index
        %parallel_loop3A_911 = tpu.vector_load %arg12[%parallel_loop3A_909, %parallel_loop3A_910] {strides = array<i32>} : memref<128x128xf32, #tpu.memory_space<vmem>>, vector<1x16xf32>,
        %parallel_loop3A_912 = vector.shape_cast %parallel_loop3A_911 : vector<1x16xf32> to vector<16xf32>
        %parallel_loop3A_913 = vector.shape_cast %get3A_751 : vector<16xf32> to vector<1x16xf32>
        tpu.vector_store %arg12[%parallel_loop3A_909, %parallel_loop3A_910], %parallel_loop3A_913 {add = true, strides = array<i32>} : memref<128x128xf32, #tpu.memory_space<vmem>>, vector<1x16xf32>,
        %parallel_loop3A_914 = arith.index_cast %parallel_loop3A_888 : i32 to index
        %parallel_loop3A_915 = arith.constant 80 : index
        %parallel_loop3A_916 = tpu.vector_load %arg12[%parallel_loop3A_914, %parallel_loop3A_915] {strides = array<i32>} : memref<128x128xf32, #tpu.memory_space<vmem>>, vector<1x16xf32>,
        %parallel_loop3A_917 = vector.shape_cast %parallel_loop3A_916 : vector<1x16xf32> to vector<16xf32>
        %parallel_loop3A_918 = vector.shape_cast %get3A_755 : vector<16xf32> to vector<1x16xf32>
        tpu.vector_store %arg12[%parallel_loop3A_914, %parallel_loop3A_915], %parallel_loop3A_918 {add = true, strides = array<i32>} : memref<128x128xf32, #tpu.memory_space<vmem>>, vector<1x16xf32>,
        %parallel_loop3A_919 = arith.index_cast %parallel_loop3A_888 : i32 to index
        %parallel_loop3A_920 = arith.constant 96 : index
        %parallel_loop3A_921 = tpu.vector_load %arg12[%parallel_loop3A_919, %parallel_loop3A_920] {strides = array<i32>} : memref<128x128xf32, #tpu.memory_space<vmem>>, vector<1x16xf32>,
        %parallel_loop3A_922 = vector.shape_cast %parallel_loop3A_921 : vector<1x16xf32> to vector<16xf32>
        %parallel_loop3A_923 = vector.shape_cast %get3A_759 : vector<16xf32> to vector<1x16xf32>
        tpu.vector_store %arg12[%parallel_loop3A_919, %parallel_loop3A_920], %parallel_loop3A_923 {add = true, strides = array<i32>} : memref<128x128xf32, #tpu.memory_space<vmem>>, vector<1x16xf32>,
        %parallel_loop3A_924 = arith.index_cast %parallel_loop3A_888 : i32 to index
        %parallel_loop3A_925 = arith.constant 112 : index
        %parallel_loop3A_926 = tpu.vector_load %arg12[%parallel_loop3A_924, %parallel_loop3A_925] {strides = array<i32>} : memref<128x128xf32, #tpu.memory_space<vmem>>, vector<1x16xf32>,
        %parallel_loop3A_927 = vector.shape_cast %parallel_loop3A_926 : vector<1x16xf32> to vector<16xf32>
        %parallel_loop3A_928 = vector.shape_cast %get3A_763 : vector<16xf32> to vector<1x16xf32>
        tpu.vector_store %arg12[%parallel_loop3A_924, %parallel_loop3A_925], %parallel_loop3A_928 {add = true, strides = array<i32>} : memref<128x128xf32, #tpu.memory_space<vmem>>, vector<1x16xf32>,
      } {sc.loop_unroll_factor = 2 : i64, sc.parallel_access}
      %jit3A_767 = arith.constant 200 : i32
      %div3A_768 = arith.divsi %add3A_696, %jit3A_767 : i32
      %sign3A_769 = arith.constant 0 : i32
      %sign3A_770 = arith.cmpi sgt, %add3A_696, %sign3A_769 : i32
      %sign3A_771 = arith.extui %sign3A_770 : i1 to i32
      %sign3A_772 = arith.constant 0 : i32
      %sign3A_773 = arith.cmpi slt, %add3A_696, %sign3A_772 : i32
      %sign3A_774 = arith.extui %sign3A_773 : i1 to i32
      %sign3A_775 = arith.subi %sign3A_771, %sign3A_774 : i32
      %sign3A_776 = arith.constant 0 : i32
      %sign3A_777 = arith.cmpi sgt, %jit3A_767, %sign3A_776 : i32
      %sign3A_778 = arith.extui %sign3A_777 : i1 to i32
      %sign3A_779 = arith.constant 0 : i32
      %sign3A_780 = arith.cmpi slt, %jit3A_767, %sign3A_779 : i32
      %sign3A_781 = arith.extui %sign3A_780 : i1 to i32
      %sign3A_782 = arith.subi %sign3A_778, %sign3A_781 : i32
      %ne3A_783 = arith.cmpi ne, %sign3A_775, %sign3A_782 : i32
      %rem3A_784 = arith.remsi %add3A_696, %jit3A_767 : i32
      %ne3A_785 = arith.constant 0 : i32
      %ne3A_786 = arith.cmpi ne, %rem3A_784, %ne3A_785 : i32
      %and3A_787 = arith.andi %ne3A_783, %ne3A_786 : i1
      %sub3A_788 = arith.constant 1 : i32
      %sub3A_789 = arith.subi %div3A_768, %sub3A_788 : i32
      %select_n3A_790 = arith.select %and3A_787, %sub3A_789, %div3A_768 : i32
      %jit3A_791 = arith.constant 200 : i32
      %eq3A_792 = arith.constant 0 : i32
      %eq3A_793 = arith.cmpi eq, %jit3A_791, %eq3A_792 : i32
      %jit3A_794 = arith.constant 1 : i32
      %select_n3A_795 = arith.select %eq3A_793, %jit3A_794, %jit3A_791 : i32
      %rem3A_796 = arith.remsi %add3A_696, %select_n3A_795 : i32
      %ne3A_797 = arith.constant 0 : i32
      %ne3A_798 = arith.cmpi ne, %rem3A_796, %ne3A_797 : i32
      %lt3A_799 = arith.constant 0 : i32
      %lt3A_800 = arith.cmpi slt, %rem3A_796, %lt3A_799 : i32
      %lt3A_801 = arith.constant 0 : i32
      %lt3A_802 = arith.cmpi slt, %select_n3A_795, %lt3A_801 : i32
      %ne3A_803 = arith.xori %lt3A_800, %lt3A_802 : i1
      %and3A_804 = arith.andi %ne3A_803, %ne3A_798 : i1
      %add3A_805 = arith.addi %rem3A_796, %select_n3A_795 : i32
      %select_n3A_806 = arith.select %and3A_804, %add3A_805, %rem3A_796 : i32
      %mul3A_807 = arith.constant 128 : i32
      %mul3A_808 = arith.muli %select_n3A_790, %mul3A_807 : i32
      %mul3A_809 = arith.constant 200 : i32
      %mul3A_810 = arith.muli %mul3A_808, %mul3A_809 : i32
      %add3A_811 = arith.addi %mul3A_4, %mul3A_810 : i32
      %add3A_812 = arith.addi %add3A_811, %select_n3A_806 : i32
      %get3A_813 = arith.constant 0 : index
      %get3A_814 = tpu.vector_load %arg8[%get3A_813] {strides = array<i32>} : memref<128xi32, #tpu.memory_space<vmem>>, vector<16xi32>,
      %get3A_815 = vector.shape_cast %get3A_814 : vector<16xi32> to vector<16xi32>
      %add3A_816 = vector.broadcast %add3A_812 : i32 to vector<16xi32>
      %add3A_817 = arith.addi %get3A_815, %add3A_816 : vector<16xi32>
      %swap3A_818 = arith.constant 0 : index
      %swap3A_819 = tpu.vector_load %arg24[%swap3A_818] {strides = array<i32>} : memref<128xi32, #tpu.memory_space<vmem>>, vector<16xi32>,
      %swap3A_820 = vector.shape_cast %swap3A_819 : vector<16xi32> to vector<16xi32>
      %swap3A_821 = vector.shape_cast %add3A_817 : vector<16xi32> to vector<16xi32>
      tpu.vector_store %arg24[%swap3A_818], %swap3A_821 {strides = array<i32>} : memref<128xi32, #tpu.memory_space<vmem>>, vector<16xi32>,
      %get3A_822 = arith.constant 16 : index
      %get3A_823 = tpu.vector_load %arg8[%get3A_822] {strides = array<i32>} : memref<128xi32, #tpu.memory_space<vmem>>, vector<16xi32>,
      %get3A_824 = vector.shape_cast %get3A_823 : vector<16xi32> to vector<16xi32>
      %add3A_825 = vector.broadcast %add3A_812 : i32 to vector<16xi32>
      %add3A_826 = arith.addi %get3A_824, %add3A_825 : vector<16xi32>
      %swap3A_827 = arith.constant 16 : index
      %swap3A_828 = tpu.vector_load %arg24[%swap3A_827] {strides = array<i32>} : memref<128xi32, #tpu.memory_space<vmem>>, vector<16xi32>,
      %swap3A_829 = vector.shape_cast %swap3A_828 : vector<16xi32> to vector<16xi32>
      %swap3A_830 = vector.shape_cast %add3A_826 : vector<16xi32> to vector<16xi32>
      tpu.vector_store %arg24[%swap3A_827], %swap3A_830 {strides = array<i32>} : memref<128xi32, #tpu.memory_space<vmem>>, vector<16xi32>,
      %get3A_831 = arith.constant 32 : index
      %get3A_832 = tpu.vector_load %arg8[%get3A_831] {strides = array<i32>} : memref<128xi32, #tpu.memory_space<vmem>>, vector<16xi32>,
      %get3A_833 = vector.shape_cast %get3A_832 : vector<16xi32> to vector<16xi32>
      %add3A_834 = vector.broadcast %add3A_812 : i32 to vector<16xi32>
      %add3A_835 = arith.addi %get3A_833, %add3A_834 : vector<16xi32>
      %swap3A_836 = arith.constant 32 : index
      %swap3A_837 = tpu.vector_load %arg24[%swap3A_836] {strides = array<i32>} : memref<128xi32, #tpu.memory_space<vmem>>, vector<16xi32>,
      %swap3A_838 = vector.shape_cast %swap3A_837 : vector<16xi32> to vector<16xi32>
      %swap3A_839 = vector.shape_cast %add3A_835 : vector<16xi32> to vector<16xi32>
      tpu.vector_store %arg24[%swap3A_836], %swap3A_839 {strides = array<i32>} : memref<128xi32, #tpu.memory_space<vmem>>, vector<16xi32>,
      %get3A_840 = arith.constant 48 : index
      %get3A_841 = tpu.vector_load %arg8[%get3A_840] {strides = array<i32>} : memref<128xi32, #tpu.memory_space<vmem>>, vector<16xi32>,
      %get3A_842 = vector.shape_cast %get3A_841 : vector<16xi32> to vector<16xi32>
      %add3A_843 = vector.broadcast %add3A_812 : i32 to vector<16xi32>
      %add3A_844 = arith.addi %get3A_842, %add3A_843 : vector<16xi32>
      %swap3A_845 = arith.constant 48 : index
      %swap3A_846 = tpu.vector_load %arg24[%swap3A_845] {strides = array<i32>} : memref<128xi32, #tpu.memory_space<vmem>>, vector<16xi32>,
      %swap3A_847 = vector.shape_cast %swap3A_846 : vector<16xi32> to vector<16xi32>
      %swap3A_848 = vector.shape_cast %add3A_844 : vector<16xi32> to vector<16xi32>
      tpu.vector_store %arg24[%swap3A_845], %swap3A_848 {strides = array<i32>} : memref<128xi32, #tpu.memory_space<vmem>>, vector<16xi32>,
      %get3A_849 = arith.constant 64 : index
      %get3A_850 = tpu.vector_load %arg8[%get3A_849] {strides = array<i32>} : memref<128xi32, #tpu.memory_space<vmem>>, vector<16xi32>,
      %get3A_851 = vector.shape_cast %get3A_850 : vector<16xi32> to vector<16xi32>
      %add3A_852 = vector.broadcast %add3A_812 : i32 to vector<16xi32>
      %add3A_853 = arith.addi %get3A_851, %add3A_852 : vector<16xi32>
      %swap3A_854 = arith.constant 64 : index
      %swap3A_855 = tpu.vector_load %arg24[%swap3A_854] {strides = array<i32>} : memref<128xi32, #tpu.memory_space<vmem>>, vector<16xi32>,
      %swap3A_856 = vector.shape_cast %swap3A_855 : vector<16xi32> to vector<16xi32>
      %swap3A_857 = vector.shape_cast %add3A_853 : vector<16xi32> to vector<16xi32>
      tpu.vector_store %arg24[%swap3A_854], %swap3A_857 {strides = array<i32>} : memref<128xi32, #tpu.memory_space<vmem>>, vector<16xi32>,
      %get3A_858 = arith.constant 80 : index
      %get3A_859 = tpu.vector_load %arg8[%get3A_858] {strides = array<i32>} : memref<128xi32, #tpu.memory_space<vmem>>, vector<16xi32>,
      %get3A_860 = vector.shape_cast %get3A_859 : vector<16xi32> to vector<16xi32>
      %add3A_861 = vector.broadcast %add3A_812 : i32 to vector<16xi32>
      %add3A_862 = arith.addi %get3A_860, %add3A_861 : vector<16xi32>
      %swap3A_863 = arith.constant 80 : index
      %swap3A_864 = tpu.vector_load %arg24[%swap3A_863] {strides = array<i32>} : memref<128xi32, #tpu.memory_space<vmem>>, vector<16xi32>,
      %swap3A_865 = vector.shape_cast %swap3A_864 : vector<16xi32> to vector<16xi32>
      %swap3A_866 = vector.shape_cast %add3A_862 : vector<16xi32> to vector<16xi32>
      tpu.vector_store %arg24[%swap3A_863], %swap3A_866 {strides = array<i32>} : memref<128xi32, #tpu.memory_space<vmem>>, vector<16xi32>,
      %get3A_867 = arith.constant 96 : index
      %get3A_868 = tpu.vector_load %arg8[%get3A_867] {strides = array<i32>} : memref<128xi32, #tpu.memory_space<vmem>>, vector<16xi32>,
      %get3A_869 = vector.shape_cast %get3A_868 : vector<16xi32> to vector<16xi32>
      %add3A_870 = vector.broadcast %add3A_812 : i32 to vector<16xi32>
      %add3A_871 = arith.addi %get3A_869, %add3A_870 : vector<16xi32>
      %swap3A_872 = arith.constant 96 : index
      %swap3A_873 = tpu.vector_load %arg24[%swap3A_872] {strides = array<i32>} : memref<128xi32, #tpu.memory_space<vmem>>, vector<16xi32>,
      %swap3A_874 = vector.shape_cast %swap3A_873 : vector<16xi32> to vector<16xi32>
      %swap3A_875 = vector.shape_cast %add3A_871 : vector<16xi32> to vector<16xi32>
      tpu.vector_store %arg24[%swap3A_872], %swap3A_875 {strides = array<i32>} : memref<128xi32, #tpu.memory_space<vmem>>, vector<16xi32>,
      %get3A_876 = arith.constant 112 : index
      %get3A_877 = tpu.vector_load %arg8[%get3A_876] {strides = array<i32>} : memref<128xi32, #tpu.memory_space<vmem>>, vector<16xi32>,
      %get3A_878 = vector.shape_cast %get3A_877 : vector<16xi32> to vector<16xi32>
      %add3A_879 = vector.broadcast %add3A_812 : i32 to vector<16xi32>
      %add3A_880 = arith.addi %get3A_878, %add3A_879 : vector<16xi32>
      %swap3A_881 = arith.constant 112 : index
      %swap3A_882 = tpu.vector_load %arg24[%swap3A_881] {strides = array<i32>} : memref<128xi32, #tpu.memory_space<vmem>>, vector<16xi32>,
      %swap3A_883 = vector.shape_cast %swap3A_882 : vector<16xi32> to vector<16xi32>
      %swap3A_884 = vector.shape_cast %add3A_880 : vector<16xi32> to vector<16xi32>
      tpu.vector_store %arg24[%swap3A_881], %swap3A_884 {strides = array<i32>} : memref<128xi32, #tpu.memory_space<vmem>>, vector<16xi32>,
      %dma_start3A_885 = arith.constant 0 : i32
      %dma_start3A_886 = arith.constant 0 : i32
      %dma_start3A_887 = tpu.memref_slice %arg5[%dma_start3A_885, %dma_start3A_886] : memref<819200x128xf32, #tpu.memory_space<hbm>> -> memref<819200x128xf32, #tpu.memory_space<hbm>>
      tpu.enqueue_indirect_dma source(%arg12 : memref<128x128xf32, #tpu.memory_space<vmem>>) target(%dma_start3A_887 : memref<819200x128xf32, #tpu.memory_space<hbm>>) offsets(%arg24 : memref<128xi32, #tpu.memory_space<vmem>>) semaphore(%arg20 : memref<!tpu.dma_semaphore, #tpu.memory_space<semaphore_mem>>)
    }
    %scan3A_110 = arith.constant 50 : i32
    %dma_wait3A = arith.constant 0 : i32
    %dma_wait3A_111 = arith.constant 0 : i32
    %dma_wait3A_112 = tpu.memref_slice %arg5[%dma_wait3A, %dma_wait3A_111] : memref<819200x128xf32, #tpu.memory_space<hbm>> -> memref<819200x128xf32, #tpu.memory_space<hbm>>
    tpu.wait_indirect_dma semaphore(%arg17 : memref<!tpu.dma_semaphore, #tpu.memory_space<semaphore_mem>>) src(%arg9 : memref<128x128xf32, #tpu.memory_space<vmem>>) dst(%dma_wait3A_112 : memref<819200x128xf32, #tpu.memory_space<hbm>>)
    %dma_wait3A_113 = arith.constant 0 : i32
    %dma_wait3A_114 = arith.constant 0 : i32
    %dma_wait3A_115 = tpu.memref_slice %arg5[%dma_wait3A_113, %dma_wait3A_114] : memref<819200x128xf32, #tpu.memory_space<hbm>> -> memref<819200x128xf32, #tpu.memory_space<hbm>>
    tpu.wait_indirect_dma semaphore(%arg18 : memref<!tpu.dma_semaphore, #tpu.memory_space<semaphore_mem>>) src(%arg10 : memref<128x128xf32, #tpu.memory_space<vmem>>) dst(%dma_wait3A_115 : memref<819200x128xf32, #tpu.memory_space<hbm>>)
    %dma_wait3A_116 = arith.constant 0 : i32
    %dma_wait3A_117 = arith.constant 0 : i32
    %dma_wait3A_118 = tpu.memref_slice %arg5[%dma_wait3A_116, %dma_wait3A_117] : memref<819200x128xf32, #tpu.memory_space<hbm>> -> memref<819200x128xf32, #tpu.memory_space<hbm>>
    tpu.wait_indirect_dma semaphore(%arg19 : memref<!tpu.dma_semaphore, #tpu.memory_space<semaphore_mem>>) src(%arg11 : memref<128x128xf32, #tpu.memory_space<vmem>>) dst(%dma_wait3A_118 : memref<819200x128xf32, #tpu.memory_space<hbm>>)
    %dma_wait3A_119 = arith.constant 0 : i32
    %dma_wait3A_120 = arith.constant 0 : i32
    %dma_wait3A_121 = tpu.memref_slice %arg5[%dma_wait3A_119, %dma_wait3A_120] : memref<819200x128xf32, #tpu.memory_space<hbm>> -> memref<819200x128xf32, #tpu.memory_space<hbm>>
    tpu.wait_indirect_dma semaphore(%arg20 : memref<!tpu.dma_semaphore, #tpu.memory_space<semaphore_mem>>) src(%arg12 : memref<128x128xf32, #tpu.memory_space<vmem>>) dst(%dma_wait3A_121 : memref<819200x128xf32, #tpu.memory_space<hbm>>)
    return
  }
}

</mosaic_0001>

<sc_bundles>
// kernel: kernel.3.cloned.1.call-start
scs
__scs_entry_jumppad:
0x0: {  	(pc) =	sbr.rel $0x88, $3  }
0x1: {  	(tag) =	ssettag $0x0;
	lr =	simm.s32 $0x1  }
0x2: {  	[smem:$0x3F9E] =	sst lr;
	_ =	strace $0xD0000000  }
0x3: {  	_ = 	snop  }
0x4: {  	_ = 	snop  }
0x5: {  	_ = 	snop  }
0x6: {  	_ = 	snop  }
0x7: {  	_ = 	snop  }
__scs_overlays_trampoline_lowered:
0x8: {  	[smem:$0x3FAD] =	sst s0  }
0x9: {  	[smem:$0x3FAE] =	sst s1  }
0xa: {  	[smem:$0x3FAF] =	sst s2  }
0xb: {  	[smem:$0x3FB0] =	sst s3  }
0xc: {  	[smem:$0x3FB1] =	sst s4  }
0xd: {  	[smem:$0x3FB2] =	sst s5  }
0xe: {  	[smem:$0x3FB3] =	sst s6  }
0xf: {  	[smem:$0x3FB4] =	sst s7  }
0x10: {  	[smem:$0x3FB5] =	sst s8  }
0x11: {  	[smem:$0x3FB6] =	sst s9;
	s0 =	simm.s32 @!p0 $0x0  }
0x12: {  	s1 =	sld [smem:$0x3F9C];
	s0 =	simm.s32 @p0 $0x1  }
0x13: {  	[smem:$0x3FB7] =	sst s0;
	s0 =	simm.s32 @!p1 $0x0  }
0x14: {  	s2 =	sld [smem:$0x3F9B];
	s0 =	simm.s32 @p1 $0x1  }
0x15: {  	[smem:$0x3FB8] =	sst s0;
	s0 =	simm.s32 @!p2 $0x0  }
0x16: {  	s3 =	sld [smem:$0x3FDB];
	s0 =	simm.s32 @p2 $0x1  }
0x17: {  	s4 =	simm.s32 $0x1BF5;
	[smem:$0x3FBA] =	sst s0  }
0x18: {  	s0 =	sld [smem:$0x3F9D];
	_ =	swait.ge [sflag:s4], $0x0  }
0x19: {  	s7 =	sld [smem:$0x3F9E]  }
0x1a: {  	s8 =	sadd.s32 $0xFFFFE003, lr  }
0x1b: {  	s9 =	sadd.s32 $0xFFFFFEF7, lr;
	s5 =	simm.s32 $0xFFFFFFFF;
	p2 =	slt.u32 s8, $0xFFFFF086  }
0x1c: {  	p1 =	slt.u32 s9, $0xF7A;
	s5 =	simm.s32 @!p2 $0x0  }
0x1d: {  	s5 =	simm.s32 @p1 $0x1;
	p0 =	seq.s32 s7, s2  }
0x1e: {  	s7 =	smul.u32 @!p0 $0xF7A, s2;
	p2 =	seq.s32 @!p0 s5, $0x0  }
0x1f: {  	s9 =	smul.u32 $0xF7A, s1;
	s8 =	simm.s32 @!p0 $0x1BF5;
	p2 =	por !p2, p0  }
0x20: {  	[sflag:s8] =	ssyncset.s32 @!p0 $0xFFFFF086;
	s6 =	sadd.s32 @!p0 s3, s7;
	s7 =	simm.s32 @!p0 $0x108  }
0x21: {  	s3 =	sadd.s32 s3, s9;
	s6 =	sadd.s32 @!p0 $0x88, s6;
	s7 =	simm.s32 @p2 $0x1082  }
0x22: {  	[simem:s7], [sflag:s8] =	dma.local @!p0 [hbm:s6], $0xF7A  }
0x23: {  	s9 =	sor.u32 $0xD0000000, s2;
	s6 =	simm.s32 $0x108;
	_ =	swait.ge @!p0 [sflag:s8], $0x0  }
0x24: {  	s3 =	sadd.s32 $0x88, s3;
	s6 =	simm.s32 @!p1 $0x1082;
	[sflag:s4] =	ssyncset.s32 $0xFFFFF086  }
0x25: {  	[simem:s6], [sflag:s4] =	dma.local [hbm:s3], $0xF7A  }
0x26: {  	[smem:$0x3F9E] =	sst s1;
	(tag) =	ssettag s2;
	_ =	strace s9  }
0x27: {  	s1 =	sld [smem:$0x3FAE]  }
0x28: {  	s2 =	sld [smem:$0x3FAF]  }
0x29: {  	s4 =	sld [smem:$0x3FB1]  }
0x2a: {  	p0 =	seq.s32 s5, $0x0;
	s5 =	sld [smem:$0x3FB2]  }
0x2b: {  	s6 =	sld [smem:$0x3FB3]  }
0x2c: {  	s7 =	sld [smem:$0x3FB4]  }
0x2d: {  	s3 =	simm.s32 $0x108;
	s8 =	sld [smem:$0x3FB5]  }
0x2e: {  	s3 =	simm.s32 @!p0 $0x1082;
	s9 =	sld [smem:$0x3FB6]  }
0x2f: {  	lr =	sadd.s32 s0, s3;
	s0 =	sld [smem:$0x3FAD]  }
0x30: {  	s3 =	sld [smem:$0x3FB0]  }
0x31: {  	[smem:$0x3FB9] =	sst s10  }
0x32: {  	s10 =	sld [smem:$0x3FB7];
	_ =	sdelay $0x3  }
0x33: {  	p0 =	seq.s32 s10, $0x1;
	s10 =	sld [smem:$0x3FB9];
	_ =	sdelay $0x3  }
0x34: {  	[smem:$0x3FB9] =	sst s10  }
0x35: {  	s10 =	sld [smem:$0x3FB8];
	_ =	sdelay $0x3  }
0x36: {  	p1 =	seq.s32 s10, $0x1;
	s10 =	sld [smem:$0x3FB9];
	_ =	sdelay $0x3  }
0x37: {  	[smem:$0x3FB9] =	sst s10  }
0x38: {  	s10 =	sld [smem:$0x3FBA]  }
0x39: {  	_ = 	snop;
	(pc) =	sbr.ind lr, $3  }
0x3a: {  	_ = 	snop  }
0x3b: {  	_ = 	snop  }
0x3c: {  	p2 =	seq.s32 s10, $0x1;
	s10 =	sld [smem:$0x3FB9]  }
0x3d: {  	_ =	shalt  }
0x3e: {  	_ =	shalt  }
0x3f: {  	_ =	shalt  }
0x40: {  	_ =	shalt  }
0x41: {  	_ =	shalt  }
0x42: {  	_ =	shalt  }
0x43: {  	_ =	shalt  }
0x44: {  	_ =	shalt  }
0x45: {  	_ =	shalt  }
0x46: {  	_ =	shalt  }
0x47: {  	_ =	shalt  }
0x48: {  	_ =	shalt  }
0x49: {  	_ =	shalt  }
0x4a: {  	_ =	shalt  }
0x4b: {  	_ =	shalt  }
0x4c: {  	_ =	shalt  }
0x4d: {  	_ =	shalt  }
0x4e: {  	_ =	shalt  }
0x4f: {  	_ =	shalt  }
0x50: {  	_ =	shalt  }
0x51: {  	_ =	shalt  }
0x52: {  	_ =	shalt  }
0x53: {  	_ =	shalt  }
0x54: {  	_ =	shalt  }
0x55: {  	_ =	shalt  }
0x56: {  	_ =	shalt  }
0x57: {  	_ =	shalt  }
0x58: {  	_ =	shalt  }
0x59: {  	_ =	shalt  }
0x5a: {  	_ =	shalt  }
0x5b: {  	_ =	shalt  }
0x5c: {  	_ =	shalt  }
0x5d: {  	_ =	shalt  }
0x5e: {  	_ =	shalt  }
0x5f: {  	_ =	shalt  }
0x60: {  	_ =	shalt  }
0x61: {  	_ =	shalt  }
0x62: {  	_ =	shalt  }
0x63: {  	_ =	shalt  }
0x64: {  	_ =	shalt  }
0x65: {  	_ =	shalt  }
0x66: {  	_ =	shalt  }
0x67: {  	_ =	shalt  }
0x68: {  	_ =	shalt  }
0x69: {  	_ =	shalt  }
0x6a: {  	_ =	shalt  }
0x6b: {  	_ =	shalt  }
0x6c: {  	_ =	shalt  }
0x6d: {  	_ =	shalt  }
0x6e: {  	_ =	shalt  }
0x6f: {  	_ =	shalt  }
0x70: {  	_ =	shalt  }
0x71: {  	_ =	shalt  }
0x72: {  	_ =	shalt  }
0x73: {  	_ =	shalt  }
0x74: {  	_ =	shalt  }
0x75: {  	_ =	shalt  }
0x76: {  	_ =	shalt  }
0x77: {  	_ =	shalt  }
0x78: {  	_ =	shalt  }
0x79: {  	_ =	shalt  }
0x7a: {  	_ =	shalt  }
0x7b: {  	_ =	shalt  }
0x7c: {  	_ =	shalt  }
0x7d: {  	_ =	shalt  }
0x7e: {  	_ =	shalt  }
0x7f: {  	_ =	shalt  }
0x80: {  	_ =	shalt  }
0x81: {  	_ =	shalt  }
0x82: {  	_ =	shalt  }
0x83: {  	_ =	shalt  }
0x84: {  	_ =	shalt  }
0x85: {  	_ =	shalt  }
0x86: {  	_ =	shalt  }
0x87: {  	_ =	shalt  }
.Lfunc_end0:
.L_simem_size_0:
called_computation_lowered:
.L_overlay_start_0:
0x88: {  	s2 =	sld [smem:$0x3FD9]  }
0x89: {  	s3 =	sld [smem:$0x3FFE];
	_ =	sdelay $0x1  }
0x8a: {  	s1 =	srdreg.scid  }
0x8b: {  	s0 =	sand.u32 $0x1, s1  }
0x8c: {  	s17 =	sshll.u32 s0, $0xA;
	s2 =	sadd.s32 s3, s2  }
0x8d: {  	s2 =	sadd.s32 s2, s17  }
0x8e: {  	[smem:$0x3FC5] =	sst s2  }
0x8f: {  	_ = 	snop  }
0x90: {  	s2 =	sld [smem:$0x3FC8]  }
0x91: {  	s18 =	sld [smem:$0x3FC7]  }
0x92: {  	s4 =	sld [smem:$0x3FD0];
	(tm) =	ssettm $0x1  }
0x93: {  	s5 =	sld [smem:$0x3FFB];
	_ =	sdelay $0x3  }
0x94: {  	_ =	strace s5  }
0x95: {  	s5 =	sld [smem:$0x3FFC];
	_ =	sdelay $0x3  }
0x96: {  	_ =	strace s5  }
0x97: {  	s5 =	sld [smem:$0x3FFD];
	_ =	sdelay $0x3  }
0x98: {  	_ =	strace s5  }
0x99: {  	_ =	strace $0x8FFFFFFF  }
0x9a: {  	s19 =	sld [smem:$0x3FDB];
	_ =	sdelay $0x1  }
0x9b: {  	s6 =	simm.s32 $_scs_section_size  }
0x9c: {  	s7 =	simm.s32 $_size__tile_overlayer_lowered;
	s8 =	simm.s32 $_tile_overlayer_lowered  }
0x9d: {  	s22 =	simm.s32 $0x1BFF;
	s21 =	sshll.u32 s8, $0x1;
	s5 =	sadd.s32 s6, s19  }
0x9e: {  	s9 =	simm.s32 $0x0;
	s20 =	sshll.u32 s7, $0x1;
	s7 =	sadd.s32 s21, s5  }
0x9f: {  	[timem:s9], [sflag:s22] =	dma.local [hbm:s7], s20  }
0xa0: {  	_ =	swait.ge [sflag:s22], s20  }
0xa1: {  	s6 =	ssub.s32 $0x0, s20;
	[sflag:s22] =	ssyncset.done $0x0  }
0xa2: {  	[sflag:s22] =	ssyncadd.s32 s6;
	_ =	sdelay $0x1  }
0xa3: {  	s23 =	simm.s32 $0x1B8B  }
0xa4: {  	_ =	swait.ge [sflag:s23], $0x1  }
0xa5: {  	[sflag:s23] =	ssyncset.done $0x0  }
0xa6: {  	s25 =	simm.s32 $0x1B8E;
	s24 =	sld [smem:$0x3FFE];
	[sflag:s23] =	ssyncadd.s32 $0xFFFFFFFF  }
0xa7: {  	s26 =	simm.s32 $execute0_lowered;
	[smem:$0x3FD2] =	sst s25  }
0xa8: {  	s7 =	sshll.u32 s26, $0x1;
	_ =	strace $0x80000046;
	[dreg:$0x1] =	wrdreg $0xFFFFFFFF  }
0xa9: {  	s28 =	simm.s32 $_size_execute0_lowered;
	s5 =	sadd.s32 s5, s7;
	[dreg:$0x0] =	wrdreg $0x0  }
0xaa: {  	s7 =	sshll.u32 s28, $0x1;
	[dreg:$0x2] =	wrdreg s5  }
0xab: {  	[dreg:$0x3] =	wrdreg s7  }
0xac: {  	[dreg:$0x4] =	wrdreg $0xC0  }
0xad: {  	_ =	task [dreg:s9], $0x5FFFF  }
0xae: {  	[dreg:$0x1] =	wrdreg $0xFFFFFFFF  }
0xaf: {  	[dreg:$0x0] =	wrdreg $0x60  }
0xb0: {  	[dreg:$0x2] =	wrdreg s24  }
0xb1: {  	[dreg:$0x3] =	wrdreg s2  }
0xb2: {  	[dreg:$0x4] =	wrdreg s18  }
0xb3: {  	[dreg:$0x5] =	wrdreg s4  }
0xb4: {  	[dreg:$0x6] =	wrdreg $0x9  }
0xb5: {  	_ =	task.clear_ibuf [dreg:s9], $0x7FFFF;
	_ =	strace $0x90000046  }
0xb6: {  	s29 =	simm.s32 $0x9;
	_ =	strace $0x80000048  }
0xb7: {  	_ =	swait.ge [sflag:s29], $0x1  }
0xb8: {  	[sflag:s29] =	ssyncadd.s32 $0xFFFFFFFF  }
0xb9: {  	_ =	strace $0x90000048  }
0xba: {  	_ =	sfence  }
0xbb: {  	s30 =	sld [smem:$0x0];
	_ =	sdelay $0x2  }
0xbc: {  	s31 =	sshll.u32 s1, $0xD;
	s1 =	sshrl.u32 s1, $0x2  }
0xbd: {  	s3 =	sand.u32 $0x4000, s31;
	s1 =	sadd.s32 s1, s30  }
0xbe: {  	s0 =	sor.u32 s3, s0;
	s1 =	sshll.u32 s1, $0x11  }
0xbf: {  	s0 =	sor.u32 s1, s0  }
0xc0: {  	s0 =	sadd.s32 $0x8F2B, s0  }
0xc1: {  	[sflag:s0] =	ssyncadd.remote.s32 $0x1  }
0xc2: {  	_ =	sfence.sel $0xFFFF  }
0xc3: {  	[dreg:$0x0] =	wrdreg $0xFFFFFFFF;
	(pc) =	sbr.abs _section_cstart, $3  }
0xc4: {  	[dreg:$0x1] =	wrdreg $0xFFFFFFFF  }
0xc5: {  	_ =	task.clear_ibuf [dreg:s9], $0x2FFFF;
	_ =	strace $0x9FFFFFFF  }
0xc6: {  	(tm) =	ssettm $0x7FFFFFFF  }
0xc7: {  	_ =	shalt  }
tec
execute0_lowered:
.L_overlay_start_1:
0x0: {  	(tag) =	ssettag $0x1  }
0x1: {  	s0 =	rddreg [dreg:$0x0]  }
0x2: {  	s2 =	srdreg.scid;
	s1 =	rddreg [dreg:$0x1]  }
0x3: {  	s3 =	stileid.u32;
	s5 =	rddreg [dreg:$0x3];
	s6 =	simm.s32 $0x0  }
0x4: {  	s9 =	simm.s32 $0x9;
	s11 =	simm.s32 $0x80;
	s12 =	simm.s32 $0xC880  }
0x5: {  	s13 =	simm.s32 $0x10880;
	s14 =	simm.s32 $0x14880;
	s15 =	simm.s32 $0x1  }
0x6: {  	s16 =	simm.s32 $0x1C880;
	s17 =	simm.s32 $0x18880;
	s18 =	simm.s32 $0x2  }
0x7: {  	s19 =	simm.s32 $0x1C900;
	s20 =	simm.s32 $0x3;
	s21 =	simm.s32 $0x1C980  }
0x8: {  	s22 =	simm.s32 $0x4;
	s2 =	sand.u32 $0x1, s2;
	s3 =	sshll.u32 s3, $0x1  }
0x9: {  	v0 =	vlaneseq.u32;
	s23 =	simm.s32 $0x1CA00;
	s4 =	sor.u32 s2, s3;
	s2 =	ssub.s32 $0x2, s2  }
0xa: {  	s24 =	simm.s32 $0x5;
	v0 =	vmul.u32 $0xC8, v0;
	s3 =	smul.u32 $0xC80, s4;
	s30 =	sshrl.u32 s2, $0x1  }
0xb: {  	s25 =	simm.s32 $0x6;
	s26 =	simm.s32 $0x7;
	s2 =	ssub.s32 s2, s30  }
0xc: {  	[smem:$0x7FF] =	sst s6;
	v1 =	vadd.s32 $0xC80, v0;
	s0 =	sadd.s32 s3, s0;
	s31 =	smax.u32 s2, $0x1  }
0xd: {  	_ =	strace $0x80000047;
	v2 =	vadd.s32 $0x1900, v0;
	v3 =	vadd.s32 $0x2580, v0;
	v4 =	vadd.s32 $0x3200, v0;
	s0 =	sadd.s32 $0x400, s0;
	[dreg:$0x6] =	wrdreg s31  }
0xe: {  	s28 =	simm.s32 $0x8;
	s29 =	simm.s32 $0x0;
	v5 =	vadd.s32 $0x3E80, v0;
	v6 =	vadd.s32 $0x4B00, v0;
	v7 =	vadd.s32 $0x5780, v0;
	[dreg:$0x5] =	wrdreg s0  }
.LBB2_1:
0xf: {  	s0 =	rddreg [dreg:$0x5]  }
0x10: {  	[tilespmem:s6], [sflag:$0x9] =	stream.linear.gather [hbm4b:s0+s6], $0x6400, $0x38;
	[tilespmem:$0x1CA80] =	vst v63  }
0x11: {  	_ =	swait.ge [sflag:s9], $0x6400  }
0x12: {  	[sflag:s9] =	ssyncset.done $0x0  }
0x13: {  	[sflag:s9] =	ssyncadd.s32 $0xFFFF9C00  }
0x14: {  	s2 =	simm.s32 $0x6400;
	s31 =	rddreg [dreg:$0x2]  }
0x15: {  	[tilespmem:s2], [sflag:$0x9] =	stream.linear.gather [hbm4b:s31+s6], $0x6400, $0x38;
	[tilespmem:$0x1CA80] =	vst v63  }
0x16: {  	_ =	swait.ge [sflag:s9], $0x6400  }
0x17: {  	[sflag:s9] =	ssyncset.done $0x0  }
0x18: {  	[sflag:s9] =	ssyncadd.s32 $0xFFFF9C00  }
0x19: {  	[tilespmem:$0xC800] =	vst v0  }
0x1a: {  	[tilespmem:$0xC810] =	vst v1  }
0x1b: {  	[tilespmem:$0xC820] =	vst v2  }
0x1c: {  	[tilespmem:$0xC830] =	vst v3  }
0x1d: {  	[tilespmem:$0xC840] =	vst v4  }
0x1e: {  	[tilespmem:$0xC850] =	vst v5  }
0x1f: {  	[tilespmem:$0xC860] =	vst v6  }
0x20: {  	[tilespmem:$0xC870] =	vst v7  }
0x21: {  	[tilespmem:s12], [sflag:$0x1] =	stream.indirect.gather [hbm4b:s1+s11], $0x80, s6, s11, $0xb8;
	[tilespmem:$0x1CA80] =	vst v63  }
0x22: {  	s30 =	simm.s32 $0x0  }
0x23: {  	[tilespmem:s13], [sflag:$0x2] =	stream.indirect.gather [hbm4b:s1+s11], $0x80, s11, s11, $0xb8;
	[tilespmem:$0x1CA80] =	vst v63  }
.LBB2_2:
0x24: {  	s31 =	sshll.u32 s30, $0x2  }
0x25: {  	s0 =	sadd.s32 $0xFFFFFFFC, s31  }
0x26: {  	p0 =	sgt.u32 s0, $0xC3  }
0x27: {  	s2 =	simm.s32 @!p0 $0x7  }
0x28: {  	s8 =	sshll.u32 s30, $0x9;
	_ =	swait.ge @!p0 [sflag:s2], $0x4000  }
0x29: {  	s0 =	sand.u32 $0x3FFFFE00, s8;
	[sflag:s2] =	ssyncset.done @!p0 $0x0  }
0x2a: {  	s10 =	sor.u32 $0x100, s0;
	[sflag:s2] =	ssyncadd.s32 @!p0 $0xFFFFC000  }
0x2b: {  	[tilespmem:s14], [sflag:$0x3] =	stream.indirect.gather [hbm4b:s1+s11], $0x80, s10, s11, $0xb8;
	[tilespmem:$0x1CA80] =	vst v63  }
0x2c: {  	_ =	swait.ge [sflag:s15], $0x4000  }
0x2d: {  	[sflag:s15] =	ssyncset.done $0x0  }
0x2e: {  	[sflag:s15] =	ssyncadd.s32 $0xFFFFC000  }
0x2f: {  	v9 =	vld [tilespmem:s0+$0x6400]  }
0x30: {  	v8 =	vld [tilespmem:s0+$0x6410]  }
0x31: {  	v10 =	vld [tilespmem:s0+$0x6420]  }
0x32: {  	v11 =	vld [tilespmem:s0+$0x6430]  }
0x33: {  	v12 =	vld [tilespmem:s0+$0x6470]  }
0x34: {  	v13 =	vld [tilespmem:s0+$0x6460]  }
0x35: {  	v14 =	vld [tilespmem:s0+$0x6450]  }
0x36: {  	s2 =	simm.s32 $0xC880;
	v15 =	vld [tilespmem:s0+$0x6440]  }
0x37: {  	[tilespmem:s2+$0x0] =	vst.add.f32.msk $0xffff, v9  }
0x38: {  	[tilespmem:s2+$0xF0] =	vst.add.f32.msk $0xffff, v12  }
0x39: {  	[tilespmem:s2+$0xE0] =	vst.add.f32.msk $0xffff, v13  }
0x3a: {  	[tilespmem:s2+$0xD0] =	vst.add.f32.msk $0xffff, v14  }
0x3b: {  	[tilespmem:s2+$0xC0] =	vst.add.f32.msk $0xffff, v15  }
0x3c: {  	[tilespmem:s2+$0xB0] =	vst.add.f32.msk $0xffff, v11  }
0x3d: {  	[tilespmem:s2+$0xA0] =	vst.add.f32.msk $0xffff, v10  }
0x3e: {  	[tilespmem:s2+$0x90] =	vst.add.f32.msk $0xffff, v8  }
0x3f: {  	[tilespmem:s2+$0x80] =	vst.add.f32.msk $0xffff, v9  }
0x40: {  	[tilespmem:s2+$0x70] =	vst.add.f32.msk $0xffff, v12  }
0x41: {  	[tilespmem:s2+$0x60] =	vst.add.f32.msk $0xffff, v13  }
0x42: {  	[tilespmem:s2+$0x50] =	vst.add.f32.msk $0xffff, v14  }
0x43: {  	[tilespmem:s2+$0x40] =	vst.add.f32.msk $0xffff, v15  }
0x44: {  	[tilespmem:s2+$0x30] =	vst.add.f32.msk $0xffff, v11  }
0x45: {  	s3 =	simm.s32 $0x0;
	[tilespmem:s2+$0x20] =	vst.add.f32.msk $0xffff, v10  }
.LBB2_3:
0x46: {  	s3 =	sadd.s32 $0x2, s3;
	[tilespmem:s2+$0x10] =	vst.add.f32.msk $0xffff, v8;
	s2 =	sadd.s32 $0x100, s2  }
0x47: {  	[tilespmem:s2+$0x0] =	vst.add.f32.msk $0xffff, v9;
	p0 =	slt.u32 s3, $0x7E  }
0x48: {  	[tilespmem:s2+$0xF0] =	vst.add.f32.msk $0xffff, v12  }
0x49: {  	[tilespmem:s2+$0xE0] =	vst.add.f32.msk $0xffff, v13  }
0x4a: {  	[tilespmem:s2+$0xD0] =	vst.add.f32.msk $0xffff, v14  }
0x4b: {  	[tilespmem:s2+$0xC0] =	vst.add.f32.msk $0xffff, v15  }
0x4c: {  	[tilespmem:s2+$0xB0] =	vst.add.f32.msk $0xffff, v11  }
0x4d: {  	[tilespmem:s2+$0xA0] =	vst.add.f32.msk $0xffff, v10  }
0x4e: {  	[tilespmem:s2+$0x90] =	vst.add.f32.msk $0xffff, v8  }
0x4f: {  	[tilespmem:s2+$0x80] =	vst.add.f32.msk $0xffff, v9  }
0x50: {  	[tilespmem:s2+$0x70] =	vst.add.f32.msk $0xffff, v12  }
.Ltmp0:
0x51: {  	[tilespmem:s2+$0x60] =	vst.add.f32.msk $0xffff, v13;
	(pc) =	sbr.rel @p0 .LBB2_3-.Ltmp0, $4  }
0x52: {  	[tilespmem:s2+$0x50] =	vst.add.f32.msk $0xffff, v14  }
0x53: {  	[tilespmem:s2+$0x40] =	vst.add.f32.msk $0xffff, v15  }
0x54: {  	[tilespmem:s2+$0x30] =	vst.add.f32.msk $0xffff, v11  }
0x55: {  	[tilespmem:s2+$0x20] =	vst.add.f32.msk $0xffff, v10  }
0x56: {  	s3 =	smulhi.u32 $0x51EB851F, s30  }
0x57: {  	[tilespmem:s2+$0x10] =	vst.add.f32.msk $0xffff, v8  }
0x58: {  	v8 =	vld [tilespmem:$0xC800];
	s7 =	sshrl.u32 s3, $0x4  }
0x59: {  	v9 =	vld [tilespmem:$0xC810];
	s2 =	sadd.s32 s4, s7  }
0x5a: {  	v10 =	vld [tilespmem:$0xC820];
	s2 =	smul.u32 $0x6400, s2  }
0x5b: {  	v11 =	vld [tilespmem:$0xC830]  }
0x5c: {  	v12 =	vld [tilespmem:$0xC840];
	s8 =	sor.u32 s31, s2  }
0x5d: {  	v13 =	vld [tilespmem:$0xC850];
	v8 =	vadd.s32 s8, v8  }
0x5e: {  	[tilespmem:$0x1C880] =	vst v8;
	v8 =	vadd.s32 s8, v9;
	v9 =	vld [tilespmem:$0xC860]  }
0x5f: {  	[tilespmem:$0x1C890] =	vst v8;
	v8 =	vadd.s32 s8, v10;
	v10 =	vld [tilespmem:$0xC870]  }
0x60: {  	[tilespmem:$0x1C8A0] =	vst v8;
	v8 =	vadd.s32 s8, v11  }
0x61: {  	[tilespmem:$0x1C8B0] =	vst v8;
	v8 =	vadd.s32 s8, v12  }
0x62: {  	[tilespmem:$0x1C8C0] =	vst v8;
	v8 =	vadd.s32 s8, v13  }
0x63: {  	[tilespmem:$0x1C8D0] =	vst v8;
	v8 =	vadd.s32 s8, v9  }
0x64: {  	p0 =	seq.s32 s30, $0x0;
	[tilespmem:$0x1C8E0] =	vst v8;
	v8 =	vadd.s32 s8, v10  }
0x65: {  	s3 =	simm.s32 @!p0 $0x8;
	[tilespmem:$0x1C8F0] =	vst v8  }
0x66: {  	[hbm4b:s5+s11] =	stream.indirect.scatter [tilespmem:s12], [sflag:$0x5], $0x80, s16, s11, $0xb8;
	[tilespmem:$0x1CA80] =	vst v63  }
0x67: {  	_ =	swait.ge @!p0 [sflag:s3], $0x4000  }
0x68: {  	[sflag:s3] =	ssyncset.done @!p0 $0x0  }
0x69: {  	s10 =	sadd.s32 $0x180, s0;
	[sflag:s3] =	ssyncadd.s32 @!p0 $0xFFFFC000  }
0x6a: {  	[tilespmem:s17], [sflag:$0x4] =	stream.indirect.gather [hbm4b:s1+s11], $0x80, s10, s11, $0xb8;
	[tilespmem:$0x1CA80] =	vst v63  }
0x6b: {  	s3 =	sor.u32 $0x1, s31;
	_ =	swait.ge [sflag:s18], $0x4000  }
0x6c: {  	s7 =	sshll.u32 s3, $0x7;
	[sflag:s18] =	ssyncset.done $0x0  }
0x6d: {  	s7 =	sand.u32 $0x3FFFFF80, s7;
	[sflag:s18] =	ssyncadd.s32 $0xFFFFC000  }
0x6e: {  	v9 =	vld [tilespmem:s7+$0x6400]  }
0x6f: {  	v8 =	vld [tilespmem:s7+$0x6410]  }
0x70: {  	v10 =	vld [tilespmem:s7+$0x6420]  }
0x71: {  	v11 =	vld [tilespmem:s7+$0x6430]  }
0x72: {  	v12 =	vld [tilespmem:s7+$0x6470]  }
0x73: {  	v13 =	vld [tilespmem:s7+$0x6460]  }
0x74: {  	v14 =	vld [tilespmem:s7+$0x6450]  }
0x75: {  	s10 =	simm.s32 $0x10880;
	v15 =	vld [tilespmem:s7+$0x6440]  }
0x76: {  	[tilespmem:s10+$0x0] =	vst.add.f32.msk $0xffff, v9  }
0x77: {  	[tilespmem:s10+$0xF0] =	vst.add.f32.msk $0xffff, v12  }
0x78: {  	[tilespmem:s10+$0xE0] =	vst.add.f32.msk $0xffff, v13  }
0x79: {  	[tilespmem:s10+$0xD0] =	vst.add.f32.msk $0xffff, v14  }
0x7a: {  	[tilespmem:s10+$0xC0] =	vst.add.f32.msk $0xffff, v15  }
0x7b: {  	[tilespmem:s10+$0xB0] =	vst.add.f32.msk $0xffff, v11  }
0x7c: {  	[tilespmem:s10+$0xA0] =	vst.add.f32.msk $0xffff, v10  }
0x7d: {  	[tilespmem:s10+$0x90] =	vst.add.f32.msk $0xffff, v8  }
0x7e: {  	[tilespmem:s10+$0x80] =	vst.add.f32.msk $0xffff, v9  }
0x7f: {  	[tilespmem:s10+$0x70] =	vst.add.f32.msk $0xffff, v12  }
0x80: {  	[tilespmem:s10+$0x60] =	vst.add.f32.msk $0xffff, v13  }
0x81: {  	[tilespmem:s10+$0x50] =	vst.add.f32.msk $0xffff, v14  }
0x82: {  	[tilespmem:s10+$0x40] =	vst.add.f32.msk $0xffff, v15  }
0x83: {  	[tilespmem:s10+$0x30] =	vst.add.f32.msk $0xffff, v11  }
0x84: {  	s7 =	simm.s32 $0x0;
	[tilespmem:s10+$0x20] =	vst.add.f32.msk $0xffff, v10  }
.LBB2_5:
0x85: {  	s7 =	sadd.s32 $0x2, s7;
	[tilespmem:s10+$0x10] =	vst.add.f32.msk $0xffff, v8;
	s10 =	sadd.s32 $0x100, s10  }
0x86: {  	[tilespmem:s10+$0x0] =	vst.add.f32.msk $0xffff, v9;
	p0 =	slt.u32 s7, $0x7E  }
0x87: {  	[tilespmem:s10+$0xF0] =	vst.add.f32.msk $0xffff, v12  }
0x88: {  	[tilespmem:s10+$0xE0] =	vst.add.f32.msk $0xffff, v13  }
0x89: {  	[tilespmem:s10+$0xD0] =	vst.add.f32.msk $0xffff, v14  }
0x8a: {  	[tilespmem:s10+$0xC0] =	vst.add.f32.msk $0xffff, v15  }
0x8b: {  	[tilespmem:s10+$0xB0] =	vst.add.f32.msk $0xffff, v11  }
0x8c: {  	[tilespmem:s10+$0xA0] =	vst.add.f32.msk $0xffff, v10  }
0x8d: {  	[tilespmem:s10+$0x90] =	vst.add.f32.msk $0xffff, v8  }
0x8e: {  	[tilespmem:s10+$0x80] =	vst.add.f32.msk $0xffff, v9  }
0x8f: {  	[tilespmem:s10+$0x70] =	vst.add.f32.msk $0xffff, v12  }
.Ltmp1:
0x90: {  	[tilespmem:s10+$0x60] =	vst.add.f32.msk $0xffff, v13;
	(pc) =	sbr.rel @p0 .LBB2_5-.Ltmp1, $4  }
0x91: {  	[tilespmem:s10+$0x50] =	vst.add.f32.msk $0xffff, v14  }
0x92: {  	[tilespmem:s10+$0x40] =	vst.add.f32.msk $0xffff, v15  }
0x93: {  	[tilespmem:s10+$0x30] =	vst.add.f32.msk $0xffff, v11  }
0x94: {  	[tilespmem:s10+$0x20] =	vst.add.f32.msk $0xffff, v10  }
0x95: {  	[tilespmem:s10+$0x10] =	vst.add.f32.msk $0xffff, v8  }
0x96: {  	v8 =	vld [tilespmem:$0xC800]  }
0x97: {  	v9 =	vld [tilespmem:$0xC810]  }
0x98: {  	v10 =	vld [tilespmem:$0xC820]  }
0x99: {  	v11 =	vld [tilespmem:$0xC830]  }
0x9a: {  	s3 =	sor.u32 s3, s2;
	v12 =	vld [tilespmem:$0xC840]  }
0x9b: {  	v13 =	vld [tilespmem:$0xC850];
	v8 =	vadd.s32 s3, v8  }
0x9c: {  	[tilespmem:$0x1C900] =	vst v8;
	v8 =	vadd.s32 s3, v9;
	v9 =	vld [tilespmem:$0xC860]  }
0x9d: {  	[tilespmem:$0x1C910] =	vst v8;
	v8 =	vadd.s32 s3, v10;
	v10 =	vld [tilespmem:$0xC870]  }
0x9e: {  	[tilespmem:$0x1C920] =	vst v8;
	v8 =	vadd.s32 s3, v11  }
0x9f: {  	[tilespmem:$0x1C930] =	vst v8;
	v8 =	vadd.s32 s3, v12  }
0xa0: {  	[tilespmem:$0x1C940] =	vst v8;
	v8 =	vadd.s32 s3, v13  }
0xa1: {  	[tilespmem:$0x1C950] =	vst v8;
	v8 =	vadd.s32 s3, v9  }
0xa2: {  	[tilespmem:$0x1C960] =	vst v8;
	v8 =	vadd.s32 s3, v10;
	s3 =	sor.u32 $0x2, s31  }
0xa3: {  	[tilespmem:$0x1C970] =	vst v8;
	p0 =	sgt.u32 s3, $0xC5  }
0xa4: {  	[hbm4b:s5+s11] =	stream.indirect.scatter [tilespmem:s13], [sflag:$0x6], $0x80, s19, s11, $0xb8;
	[tilespmem:$0x1CA80] =	vst v63  }
0xa5: {  	s7 =	simm.s32 @!p0 $0x5  }
0xa6: {  	_ =	swait.ge @!p0 [sflag:s7], $0x4000  }
0xa7: {  	s10 =	simm.s32 @!p0 $0x80;
	[sflag:s7] =	ssyncset.done @!p0 $0x0  }
0xa8: {  	s8 =	simm.s32 @!p0 $0xC880;
	[sflag:s7] =	ssyncadd.s32 @!p0 $0xFFFFC000;
	s7 =	sadd.s32 @!p0 $0x200, s0  }
0xa9: {  	[tilespmem:s8], [sflag:$0x1] =	stream.indirect.gather @!p0 [hbm4b:s1+s10], $0x80, s7, s10, $0xb8;
	[tilespmem:$0x1CA80] =	vst v63  }
0xaa: {  	_ =	swait.ge [sflag:s20], $0x4000  }
0xab: {  	s10 =	sshll.u32 s3, $0x7;
	[sflag:s20] =	ssyncset.done $0x0  }
0xac: {  	s7 =	sand.u32 $0x3FFFFF80, s10;
	[sflag:s20] =	ssyncadd.s32 $0xFFFFC000  }
0xad: {  	v9 =	vld [tilespmem:s7+$0x6400]  }
0xae: {  	v8 =	vld [tilespmem:s7+$0x6410]  }
0xaf: {  	v10 =	vld [tilespmem:s7+$0x6420]  }
0xb0: {  	v11 =	vld [tilespmem:s7+$0x6430]  }
0xb1: {  	v12 =	vld [tilespmem:s7+$0x6470]  }
0xb2: {  	v13 =	vld [tilespmem:s7+$0x6460]  }
0xb3: {  	v14 =	vld [tilespmem:s7+$0x6450]  }
0xb4: {  	s10 =	simm.s32 $0x14880;
	v15 =	vld [tilespmem:s7+$0x6440]  }
0xb5: {  	[tilespmem:s10+$0x0] =	vst.add.f32.msk $0xffff, v9  }
0xb6: {  	[tilespmem:s10+$0xF0] =	vst.add.f32.msk $0xffff, v12  }
0xb7: {  	[tilespmem:s10+$0xE0] =	vst.add.f32.msk $0xffff, v13  }
0xb8: {  	[tilespmem:s10+$0xD0] =	vst.add.f32.msk $0xffff, v14  }
0xb9: {  	[tilespmem:s10+$0xC0] =	vst.add.f32.msk $0xffff, v15  }
0xba: {  	[tilespmem:s10+$0xB0] =	vst.add.f32.msk $0xffff, v11  }
0xbb: {  	[tilespmem:s10+$0xA0] =	vst.add.f32.msk $0xffff, v10  }
0xbc: {  	[tilespmem:s10+$0x90] =	vst.add.f32.msk $0xffff, v8  }
0xbd: {  	[tilespmem:s10+$0x80] =	vst.add.f32.msk $0xffff, v9  }
0xbe: {  	[tilespmem:s10+$0x70] =	vst.add.f32.msk $0xffff, v12  }
0xbf: {  	[tilespmem:s10+$0x60] =	vst.add.f32.msk $0xffff, v13  }
0xc0: {  	[tilespmem:s10+$0x50] =	vst.add.f32.msk $0xffff, v14  }
0xc1: {  	[tilespmem:s10+$0x40] =	vst.add.f32.msk $0xffff, v15  }
0xc2: {  	[tilespmem:s10+$0x30] =	vst.add.f32.msk $0xffff, v11  }
0xc3: {  	s7 =	simm.s32 $0x0;
	[tilespmem:s10+$0x20] =	vst.add.f32.msk $0xffff, v10  }
.LBB2_7:
0xc4: {  	s7 =	sadd.s32 $0x2, s7;
	[tilespmem:s10+$0x10] =	vst.add.f32.msk $0xffff, v8;
	s10 =	sadd.s32 $0x100, s10  }
0xc5: {  	[tilespmem:s10+$0x0] =	vst.add.f32.msk $0xffff, v9;
	p0 =	slt.u32 s7, $0x7E  }
0xc6: {  	[tilespmem:s10+$0xF0] =	vst.add.f32.msk $0xffff, v12  }
0xc7: {  	[tilespmem:s10+$0xE0] =	vst.add.f32.msk $0xffff, v13  }
0xc8: {  	[tilespmem:s10+$0xD0] =	vst.add.f32.msk $0xffff, v14  }
0xc9: {  	[tilespmem:s10+$0xC0] =	vst.add.f32.msk $0xffff, v15  }
0xca: {  	[tilespmem:s10+$0xB0] =	vst.add.f32.msk $0xffff, v11  }
0xcb: {  	[tilespmem:s10+$0xA0] =	vst.add.f32.msk $0xffff, v10  }
0xcc: {  	[tilespmem:s10+$0x90] =	vst.add.f32.msk $0xffff, v8  }
0xcd: {  	[tilespmem:s10+$0x80] =	vst.add.f32.msk $0xffff, v9  }
0xce: {  	[tilespmem:s10+$0x70] =	vst.add.f32.msk $0xffff, v12  }
.Ltmp2:
0xcf: {  	[tilespmem:s10+$0x60] =	vst.add.f32.msk $0xffff, v13;
	(pc) =	sbr.rel @p0 .LBB2_7-.Ltmp2, $4  }
0xd0: {  	[tilespmem:s10+$0x50] =	vst.add.f32.msk $0xffff, v14  }
0xd1: {  	[tilespmem:s10+$0x40] =	vst.add.f32.msk $0xffff, v15  }
0xd2: {  	[tilespmem:s10+$0x30] =	vst.add.f32.msk $0xffff, v11  }
0xd3: {  	[tilespmem:s10+$0x20] =	vst.add.f32.msk $0xffff, v10  }
0xd4: {  	[tilespmem:s10+$0x10] =	vst.add.f32.msk $0xffff, v8  }
0xd5: {  	v8 =	vld [tilespmem:$0xC800]  }
0xd6: {  	v9 =	vld [tilespmem:$0xC810]  }
0xd7: {  	v10 =	vld [tilespmem:$0xC820]  }
0xd8: {  	v11 =	vld [tilespmem:$0xC830]  }
0xd9: {  	s3 =	sor.u32 s3, s2;
	v12 =	vld [tilespmem:$0xC840]  }
0xda: {  	v13 =	vld [tilespmem:$0xC850];
	v8 =	vadd.s32 s3, v8  }
0xdb: {  	[tilespmem:$0x1C980] =	vst v8;
	v8 =	vadd.s32 s3, v9;
	v9 =	vld [tilespmem:$0xC860]  }
0xdc: {  	[tilespmem:$0x1C990] =	vst v8;
	v8 =	vadd.s32 s3, v10;
	v10 =	vld [tilespmem:$0xC870]  }
0xdd: {  	[tilespmem:$0x1C9A0] =	vst v8;
	v8 =	vadd.s32 s3, v11  }
0xde: {  	[tilespmem:$0x1C9B0] =	vst v8;
	v8 =	vadd.s32 s3, v12  }
0xdf: {  	[tilespmem:$0x1C9C0] =	vst v8;
	v8 =	vadd.s32 s3, v13  }
0xe0: {  	[tilespmem:$0x1C9D0] =	vst v8;
	v8 =	vadd.s32 s3, v9  }
0xe1: {  	[tilespmem:$0x1C9E0] =	vst v8;
	v8 =	vadd.s32 s3, v10;
	s3 =	sor.u32 $0x3, s31  }
0xe2: {  	[tilespmem:$0x1C9F0] =	vst v8;
	p0 =	sgt.u32 s3, $0xC5  }
0xe3: {  	[hbm4b:s5+s11] =	stream.indirect.scatter [tilespmem:s14], [sflag:$0x7], $0x80, s21, s11, $0xb8;
	[tilespmem:$0x1CA80] =	vst v63  }
0xe4: {  	s7 =	simm.s32 @!p0 $0x6  }
0xe5: {  	_ =	swait.ge @!p0 [sflag:s7], $0x4000  }
0xe6: {  	s0 =	sadd.s32 @!p0 $0x280, s0;
	[sflag:s7] =	ssyncset.done @!p0 $0x0  }
0xe7: {  	s8 =	simm.s32 @!p0 $0x10880;
	[sflag:s7] =	ssyncadd.s32 @!p0 $0xFFFFC000;
	s7 =	simm.s32 @!p0 $0x80  }
0xe8: {  	[tilespmem:s8], [sflag:$0x2] =	stream.indirect.gather @!p0 [hbm4b:s1+s7], $0x80, s0, s7, $0xb8;
	[tilespmem:$0x1CA80] =	vst v63  }
0xe9: {  	_ =	swait.ge [sflag:s22], $0x4000  }
0xea: {  	s31 =	sshll.u32 s3, $0x7;
	[sflag:s22] =	ssyncset.done $0x0  }
0xeb: {  	s0 =	sand.u32 $0x3FFFFF80, s31;
	[sflag:s22] =	ssyncadd.s32 $0xFFFFC000  }
0xec: {  	v9 =	vld [tilespmem:s0+$0x6400]  }
0xed: {  	v8 =	vld [tilespmem:s0+$0x6410]  }
0xee: {  	v10 =	vld [tilespmem:s0+$0x6420]  }
0xef: {  	v11 =	vld [tilespmem:s0+$0x6430]  }
0xf0: {  	v12 =	vld [tilespmem:s0+$0x6470]  }
0xf1: {  	v13 =	vld [tilespmem:s0+$0x6460]  }
0xf2: {  	v14 =	vld [tilespmem:s0+$0x6450]  }
0xf3: {  	v15 =	vld [tilespmem:s0+$0x6440];
	s0 =	simm.s32 $0x18880  }
0xf4: {  	[tilespmem:s0+$0x0] =	vst.add.f32.msk $0xffff, v9  }
0xf5: {  	[tilespmem:s0+$0xF0] =	vst.add.f32.msk $0xffff, v12  }
0xf6: {  	[tilespmem:s0+$0xE0] =	vst.add.f32.msk $0xffff, v13  }
0xf7: {  	[tilespmem:s0+$0xD0] =	vst.add.f32.msk $0xffff, v14  }
0xf8: {  	[tilespmem:s0+$0xC0] =	vst.add.f32.msk $0xffff, v15  }
0xf9: {  	[tilespmem:s0+$0xB0] =	vst.add.f32.msk $0xffff, v11  }
0xfa: {  	[tilespmem:s0+$0xA0] =	vst.add.f32.msk $0xffff, v10  }
0xfb: {  	[tilespmem:s0+$0x90] =	vst.add.f32.msk $0xffff, v8  }
0xfc: {  	[tilespmem:s0+$0x80] =	vst.add.f32.msk $0xffff, v9  }
0xfd: {  	[tilespmem:s0+$0x70] =	vst.add.f32.msk $0xffff, v12  }
0xfe: {  	[tilespmem:s0+$0x60] =	vst.add.f32.msk $0xffff, v13  }
0xff: {  	[tilespmem:s0+$0x50] =	vst.add.f32.msk $0xffff, v14  }
0x100: {  	[tilespmem:s0+$0x40] =	vst.add.f32.msk $0xffff, v15  }
0x101: {  	[tilespmem:s0+$0x30] =	vst.add.f32.msk $0xffff, v11  }
0x102: {  	s7 =	simm.s32 $0x0;
	[tilespmem:s0+$0x20] =	vst.add.f32.msk $0xffff, v10  }
.LBB2_9:
0x103: {  	s7 =	sadd.s32 $0x2, s7;
	[tilespmem:s0+$0x10] =	vst.add.f32.msk $0xffff, v8;
	s0 =	sadd.s32 $0x100, s0  }
0x104: {  	[tilespmem:s0+$0x0] =	vst.add.f32.msk $0xffff, v9;
	p0 =	slt.u32 s7, $0x7E  }
0x105: {  	[tilespmem:s0+$0xF0] =	vst.add.f32.msk $0xffff, v12  }
0x106: {  	[tilespmem:s0+$0xE0] =	vst.add.f32.msk $0xffff, v13  }
0x107: {  	[tilespmem:s0+$0xD0] =	vst.add.f32.msk $0xffff, v14  }
0x108: {  	[tilespmem:s0+$0xC0] =	vst.add.f32.msk $0xffff, v15  }
0x109: {  	[tilespmem:s0+$0xB0] =	vst.add.f32.msk $0xffff, v11  }
0x10a: {  	[tilespmem:s0+$0xA0] =	vst.add.f32.msk $0xffff, v10  }
0x10b: {  	[tilespmem:s0+$0x90] =	vst.add.f32.msk $0xffff, v8  }
0x10c: {  	[tilespmem:s0+$0x80] =	vst.add.f32.msk $0xffff, v9  }
0x10d: {  	[tilespmem:s0+$0x70] =	vst.add.f32.msk $0xffff, v12  }
.Ltmp3:
0x10e: {  	[tilespmem:s0+$0x60] =	vst.add.f32.msk $0xffff, v13;
	(pc) =	sbr.rel @p0 .LBB2_9-.Ltmp3, $4  }
0x10f: {  	[tilespmem:s0+$0x50] =	vst.add.f32.msk $0xffff, v14  }
0x110: {  	[tilespmem:s0+$0x40] =	vst.add.f32.msk $0xffff, v15  }
0x111: {  	[tilespmem:s0+$0x30] =	vst.add.f32.msk $0xffff, v11  }
0x112: {  	[tilespmem:s0+$0x20] =	vst.add.f32.msk $0xffff, v10  }
0x113: {  	[tilespmem:s0+$0x10] =	vst.add.f32.msk $0xffff, v8  }
0x114: {  	v8 =	vld [tilespmem:$0xC800]  }
0x115: {  	v9 =	vld [tilespmem:$0xC810]  }
0x116: {  	v10 =	vld [tilespmem:$0xC820]  }
0x117: {  	v11 =	vld [tilespmem:$0xC830]  }
0x118: {  	s31 =	sor.u32 s3, s2;
	v12 =	vld [tilespmem:$0xC840]  }
0x119: {  	v13 =	vld [tilespmem:$0xC850];
	v8 =	vadd.s32 s31, v8  }
0x11a: {  	v62 =	vld [tilespmem:$0xC860];
	[tilespmem:$0x1CA00] =	vst v8;
	v8 =	vadd.s32 s31, v9  }
0x11b: {  	v63 =	vld [tilespmem:$0xC870];
	[tilespmem:$0x1CA10] =	vst v8;
	v8 =	vadd.s32 s31, v10  }
0x11c: {  	s30 =	sadd.s32 $0x1, s30;
	[tilespmem:$0x1CA20] =	vst v8;
	v8 =	vadd.s32 s31, v11  }
0x11d: {  	p0 =	sne.s32 s30, $0x32;
	[tilespmem:$0x1CA30] =	vst v8;
	v8 =	vadd.s32 s31, v12  }
.Ltmp4:
0x11e: {  	[tilespmem:$0x1CA40] =	vst v8;
	v8 =	vadd.s32 s31, v13;
	(pc) =	sbr.rel @p0 .LBB2_2-.Ltmp4, $4  }
0x11f: {  	[tilespmem:$0x1CA50] =	vst v8;
	v8 =	vadd.s32 s31, v62  }
0x120: {  	[tilespmem:$0x1CA60] =	vst v8;
	v8 =	vadd.s32 s31, v63  }
0x121: {  	[tilespmem:$0x1CA70] =	vst v8  }
0x122: {  	[hbm4b:s5+s11] =	stream.indirect.scatter [tilespmem:s17], [sflag:$0x8], $0x80, s23, s11, $0xb8;
	[tilespmem:$0x1CA80] =	vst v63  }
0x123: {  	_ =	swait.ge [sflag:s24], $0x4000  }
0x124: {  	[sflag:s24] =	ssyncset.done $0x0  }
0x125: {  	[sflag:s24] =	ssyncadd.s32 $0xFFFFC000  }
0x126: {  	_ =	swait.ge [sflag:s25], $0x4000  }
0x127: {  	[sflag:s25] =	ssyncset.done $0x0  }
0x128: {  	[sflag:s25] =	ssyncadd.s32 $0xFFFFC000  }
0x129: {  	_ =	swait.ge [sflag:s26], $0x4000  }
0x12a: {  	[sflag:s26] =	ssyncset.done $0x0  }
0x12b: {  	[sflag:s26] =	ssyncadd.s32 $0xFFFFC000  }
0x12c: {  	_ =	swait.ge [sflag:s28], $0x4000  }
0x12d: {  	s29 =	sadd.s32 $0x1, s29;
	s0 =	rddreg [dreg:$0x6]  }
0x12e: {  	p0 =	sne.s32 s29, s0  }
.Ltmp5:
0x12f: {  	_ = 	snop;
	(pc) =	sbr.rel @p0 .LBB2_1-.Ltmp5, $3  }
0x130: {  	_ =	sdelay $0x1  }
0x131: {  	[sflag:s28] =	ssyncset.done $0x0  }
0x132: {  	[sflag:s28] =	ssyncadd.s32 $0xFFFFC000  }
0x133: {  	_ =	sfence.sel $0x180000  }
0x134: {  	[bflag:$0x0] =	sbarrier.arrive $0xFFFF  }
0x135: {  	_ =	strace $0x90000047  }
0x136: {  	s0 =	stileid.u32;
	[bflag:$0x2] =	sbarrier.arrive $0xFFFF  }
0x137: {  	p0 =	sne.s32 s0, $0x0;
	s0 =	rddreg [dreg:$0x4]  }
0x138: {  	s0 =	sadd.s32 @!p0 $0x100000, s0  }
0x139: {  	[sflag:s0] =	ssyncadd.tile.s32 @!p0 $0x1;
	_ =	shalt  }
.Lfunc_end2:
_tile_overlayer_lowered:
.L_overlay_start_2:
0x13a: {  	(tag) =	ssettag $0x2  }
0x13b: {  	s0 =	rddreg [dreg:$0x0];
	s2 =	stileid.u32  }
0x13c: {  	s1 =	rddreg [dreg:$0x1];
	p0 =	sne.s32 s2, $0x0  }
0x13d: {  	s3 =	rddreg [dreg:$0x2];
	[bflag:$0x3] =	sbarrier.arrive $0xFFFF;
	s2 =	simm.s32 @!p0 $0x1C09  }
0x13e: {  	[timem:s3], [sflag:s2] =	dma.local @!p0 [hbm:s0], s1  }
0x13f: {  	s0 =	simm.s32 @!p0 $0x9  }
0x140: {  	_ =	swait.ge @!p0 [sflag:s0], s1  }
0x141: {  	s1 =	ssub.s32 @!p0 $0x0, s1;
	[sflag:s0] =	ssyncset.done @!p0 $0x0  }
0x142: {  	[sflag:s0] =	ssyncadd.s32 @!p0 s1  }
0x143: {  	[bflag:$0x3] =	sbarrier.arrive $0xFFFF  }
0x144: {  	_ =	shalt  }

</sc_bundles>
